<compile_context>
chip_gen: v7x
topology: tpu7x:2x2x1
jax: 0.10.2.dev20260603
libtpu: 0.0.44.dev20260713+nightly
codegen_flags: <defaults>
</compile_context>

<pallas_src>
import jax
import jax.numpy as jnp
from jax import lax
from jax.experimental import pallas as pl
from jax.experimental.pallas import tpu as pltpu
from jax.experimental.pallas import tpu_sc as plsc

_NC = 2
_NS = 16
_NW = _NC * _NS

_BATCH = 4096
_SEQ = 200
_D = 64
_B = _BATCH * _SEQ
_BPW = _B // _NW
_RPW = _BATCH // _NW
_RPC = 2
_CH = _RPC * _SEQ
_NBUF = 4
_NCHUNK = _RPW // _RPC
_NGROUP = _NCHUNK // _NBUF


def _sc_gather(idx_hbm, table_hbm, out_hbm, idx_all, rows_v, *sems):
    gsem = sems[:_NBUF]
    wsem = sems[_NBUF:]
    wid = lax.axis_index("s") * _NC + lax.axis_index("c")
    row_base = wid * _RPW

    pltpu.sync_copy(idx_hbm.at[pl.ds(wid * _BPW, _BPW)], idx_all)

    def group(q, carry):
        descs = []
        for b in range(_NBUF):
            g = q * _NBUF + b
            row0 = row_base + g * _RPC

            @pl.when(q > 0)
            def _():
                prev0 = row0 - _NBUF * _RPC
                for j in range(_RPC):
                    pltpu.make_async_copy(
                        rows_v.at[b, pl.ds(j * _SEQ, _SEQ)],
                        out_hbm.at[prev0 + j],
                        wsem[b],
                    ).wait()

            descs.append(
                pltpu.async_copy(
                    table_hbm.at[idx_all.at[pl.ds(g * _CH, _CH)]],
                    rows_v.at[b],
                    gsem[b],
                )
            )
        for b in range(_NBUF):
            g = q * _NBUF + b
            row0 = row_base + g * _RPC
            descs[b].wait()
            for j in range(_RPC):
                pltpu.async_copy(
                    rows_v.at[b, pl.ds(j * _SEQ, _SEQ)],
                    out_hbm.at[row0 + j],
                    wsem[b],
                )
        return carry

    lax.fori_loop(0, _NGROUP, group, 0)

    for b in range(_NBUF):
        g = (_NGROUP - 1) * _NBUF + b
        row0 = row_base + g * _RPC
        for j in range(_RPC):
            pltpu.make_async_copy(
                rows_v.at[b, pl.ds(j * _SEQ, _SEQ)],
                out_hbm.at[row0 + j],
                wsem[b],
            ).wait()


@jax.jit
def kernel(token_ids, table):
    idx = token_ids.reshape(-1).astype(jnp.int32)
    mesh = plsc.VectorSubcoreMesh(
        core_axis_name="c", subcore_axis_name="s",
        num_cores=_NC, num_subcores=_NS,
    )
    out = pl.kernel(
        _sc_gather,
        out_type=jax.ShapeDtypeStruct((_BATCH, _SEQ, _D), jnp.float32),
        mesh=mesh,
        scratch_types=(
            [pltpu.VMEM((_BPW,), jnp.int32),
             pltpu.VMEM((_NBUF, _CH, _D), jnp.float32)]
            + [pltpu.SemaphoreType.DMA] * (2 * _NBUF)
        ),
        compiler_params=pltpu.CompilerParams(use_tc_tiling_on_sc=False),
    )(idx, table)
    return out

# --- scband reference (transcript-rebuilt; emitter-appended) ---
"""Pipeline reference for scband-state-encoder-12481174962764 (READ-ONLY COPY).

The authoritative reference and input builder live on the scoring server;
editing this copy changes nothing except your own understanding.
"""

import jax, jax.numpy as jnp
import numpy as np

VOCAB = 1000000
D_STATE = 64
BATCH = 4096
SEQ = 200

def setup_inputs(seed: int = 0) -> dict:
    key = jax.random.key(seed)
    k_idx, k_tab = jax.random.split(key)
    token_ids = jax.random.randint(k_idx, (BATCH, SEQ), 0, VOCAB, dtype=jnp.int64 if jax.config.jax_enable_x64 else jnp.int32)
    # Embedding table: normal(std=0.02), padding row 0 zeroed (padding_idx=0)
    table = jax.random.normal(k_tab, (VOCAB, D_STATE), dtype=jnp.float32) * 0.02
    table = table.at[0].set(0.0)
    return {"token_ids": token_ids, "table": table}

def reference(token_ids, table):
    # StateEncoder.forward: embedding lookup [batch, seq_len] -> [batch, seq_len, d_state]
    impulses = jnp.take(table, token_ids, axis=0)
    return impulses

if __name__ == "__main__":
    import jax
    _d = setup_inputs()
    print(jax.jit(kernel)(*tuple(_d.values())))

</pallas_src>

<mosaic_0001>
#map = affine_map<(d0, d1) -> (0)>
#map1 = affine_map<(d0, d1) -> (0, 0)>
#map2 = affine_map<(d0, d1) -> (0, 0, 0)>
module attributes {stable_mosaic.version = 14 : i64} {
  func.func @_sc_gather(%arg0: i32, %arg1: i32, %arg2: memref<819200xi32, #tpu.memory_space<hbm>>, %arg3: memref<1000000x64xf32, #tpu.memory_space<hbm>>, %arg4: memref<4096x200x64xf32, #tpu.memory_space<hbm>>, %arg5: memref<25600xi32, #tpu.memory_space<vmem>>, %arg6: memref<4x400x64xf32, #tpu.memory_space<vmem>>, %arg7: memref<!tpu.dma_semaphore, #tpu.memory_space<semaphore_mem>>, %arg8: memref<!tpu.dma_semaphore, #tpu.memory_space<semaphore_mem>>, %arg9: memref<!tpu.dma_semaphore, #tpu.memory_space<semaphore_mem>>, %arg10: memref<!tpu.dma_semaphore, #tpu.memory_space<semaphore_mem>>, %arg11: memref<!tpu.dma_semaphore, #tpu.memory_space<semaphore_mem>>, %arg12: memref<!tpu.dma_semaphore, #tpu.memory_space<semaphore_mem>>, %arg13: memref<!tpu.dma_semaphore, #tpu.memory_space<semaphore_mem>>, %arg14: memref<!tpu.dma_semaphore, #tpu.memory_space<semaphore_mem>>) attributes {dimension_semantics = [#tpu.dimension_semantics<core_parallel>, #tpu.dimension_semantics<subcore_parallel>], iteration_bounds = array<i64: 2, 16>, scalar_prefetch = 0 : i64, scratch_operands = 10 : i64, tpu.core_type = #tpu.core_type<sc_vector_subcore>, window_params = [{transform_indices = #map}, {transform_indices = #map1}, {transform_indices = #map2}]} {
    %mul3A = arith.constant 2 : i32
    %mul3A_0 = arith.muli %arg1, %mul3A : i32
    %add3A = arith.addi %mul3A_0, %arg0 : i32
    %mul3A_1 = arith.constant 128 : i32
    %mul3A_2 = arith.muli %add3A, %mul3A_1 : i32
    %mul3A_3 = arith.constant 25600 : i32
    %mul3A_4 = arith.muli %add3A, %mul3A_3 : i32
    "tpu.region"() ({
      %run_scoped3A = tpu.sem_alloc : memref<!tpu.dma_semaphore, #tpu.memory_space<semaphore_mem>>
      %dma_start3A = tpu.memref_slice %arg2[%mul3A_4] : memref<819200xi32, #tpu.memory_space<hbm>> -> memref<25600xi32, #tpu.memory_space<hbm>>
      %dma_start3A_169 = tpu.memref_slice %arg2[%mul3A_4] : memref<819200xi32, #tpu.memory_space<hbm>> -> memref<25600xi32, #tpu.memory_space<hbm>>
      tpu.enqueue_dma source(%dma_start3A_169 : memref<25600xi32, #tpu.memory_space<hbm>>) target(%arg5 : memref<25600xi32, #tpu.memory_space<vmem>>) target_semaphore(%run_scoped3A : memref<!tpu.dma_semaphore, #tpu.memory_space<semaphore_mem>>)
      %dma_wait3A_170 = tpu.memref_slice %arg2[%mul3A_4] : memref<819200xi32, #tpu.memory_space<hbm>> -> memref<25600xi32, #tpu.memory_space<hbm>>
      %dma_wait3A_171 = tpu.memref_slice %arg2[%mul3A_4] : memref<819200xi32, #tpu.memory_space<hbm>> -> memref<25600xi32, #tpu.memory_space<hbm>>
      tpu.wait_dma2 semaphore(%run_scoped3A : memref<!tpu.dma_semaphore, #tpu.memory_space<semaphore_mem>>) src(%dma_wait3A_171 : memref<25600xi32, #tpu.memory_space<hbm>>) dst(%arg5 : memref<25600xi32, #tpu.memory_space<vmem>>)
      tpu.yield
    }) : () -> ()
    %scan3A = arith.constant 0 : i32
    %scan3A_5 = arith.constant 0 : i32
    %scan3A_6 = arith.constant 16 : i32
    %scan3A_7 = arith.addi %scan3A_5, %scan3A_6 : i32
    %scan3A_8 = arith.constant 1 : i32
    scf.for %scan3A_169 = %scan3A_5 to %scan3A_7 step %scan3A_8  : i32 {
      %mul3A_170 = arith.constant 4 : i32
      %mul3A_171 = arith.muli %scan3A_169, %mul3A_170 : i32
      %add3A_172 = arith.constant 0 : i32
      %add3A_173 = arith.addi %mul3A_171, %add3A_172 : i32
      %mul3A_174 = arith.constant 2 : i32
      %mul3A_175 = arith.muli %add3A_173, %mul3A_174 : i32
      %add3A_176 = arith.addi %mul3A_2, %mul3A_175 : i32
      %gt3A = arith.constant 0 : i32
      %gt3A_177 = arith.cmpi sgt, %scan3A_169, %gt3A : i32
      %convert_element_type3A = arith.extui %gt3A_177 : i1 to i32
      %cond3A = arith.constant 0 : i32
      %cond3A_178 = arith.cmpi ne, %convert_element_type3A, %cond3A : i32
      scf.if %cond3A_178 {
        %sub3A = arith.constant 8 : i32
        %sub3A_474 = arith.subi %add3A_176, %sub3A : i32
        %add3A_475 = arith.constant 0 : i32
        %add3A_476 = arith.addi %sub3A_474, %add3A_475 : i32
        %dma_wait3A_477 = arith.constant 0 : i32
        %dma_wait3A_478 = arith.constant 0 : i32
        %dma_wait3A_479 = arith.constant 0 : i32
        %dma_wait3A_480 = tpu.memref_slice %arg6[%dma_wait3A_477, %dma_wait3A_478, %dma_wait3A_479] : memref<4x400x64xf32, #tpu.memory_space<vmem>> -> memref<1x200x64xf32, #tpu.memory_space<vmem>>
        %dma_wait3A_481 = tpu.memref_squeeze %dma_wait3A_480 : memref<1x200x64xf32, #tpu.memory_space<vmem>> -> memref<200x64xf32, #tpu.memory_space<vmem>>
        %dma_wait3A_482 = arith.constant 0 : i32
        %dma_wait3A_483 = arith.constant 0 : i32
        %dma_wait3A_484 = tpu.memref_slice %arg4[%add3A_476, %dma_wait3A_482, %dma_wait3A_483] : memref<4096x200x64xf32, #tpu.memory_space<hbm>> -> memref<1x200x64xf32, #tpu.memory_space<hbm>>
        %dma_wait3A_485 = tpu.memref_squeeze %dma_wait3A_484 : memref<1x200x64xf32, #tpu.memory_space<hbm>> -> memref<200x64xf32, #tpu.memory_space<hbm>>
        %dma_wait3A_486 = arith.constant 0 : i32
        %dma_wait3A_487 = arith.constant 0 : i32
        %dma_wait3A_488 = tpu.memref_slice %arg4[%add3A_476, %dma_wait3A_486, %dma_wait3A_487] : memref<4096x200x64xf32, #tpu.memory_space<hbm>> -> memref<1x200x64xf32, #tpu.memory_space<hbm>>
        %dma_wait3A_489 = tpu.memref_squeeze %dma_wait3A_488 : memref<1x200x64xf32, #tpu.memory_space<hbm>> -> memref<200x64xf32, #tpu.memory_space<hbm>>
        %dma_wait3A_490 = arith.constant 0 : i32
        %dma_wait3A_491 = arith.constant 0 : i32
        %dma_wait3A_492 = tpu.memref_slice %arg6[%dma_wait3A_477, %dma_wait3A_490, %dma_wait3A_491] : memref<4x400x64xf32, #tpu.memory_space<vmem>> -> memref<1x200x64xf32, #tpu.memory_space<vmem>>
        %dma_wait3A_493 = tpu.memref_squeeze %dma_wait3A_492 : memref<1x200x64xf32, #tpu.memory_space<vmem>> -> memref<200x64xf32, #tpu.memory_space<vmem>>
        tpu.wait_dma2 semaphore(%arg11 : memref<!tpu.dma_semaphore, #tpu.memory_space<semaphore_mem>>) src(%dma_wait3A_493 : memref<200x64xf32, #tpu.memory_space<vmem>>) dst(%dma_wait3A_489 : memref<200x64xf32, #tpu.memory_space<hbm>>)
        %add3A_494 = arith.constant 1 : i32
        %add3A_495 = arith.addi %sub3A_474, %add3A_494 : i32
        %dma_wait3A_496 = arith.constant 0 : i32
        %dma_wait3A_497 = arith.constant 200 : i32
        %dma_wait3A_498 = arith.constant 0 : i32
        %dma_wait3A_499 = tpu.memref_slice %arg6[%dma_wait3A_496, %dma_wait3A_497, %dma_wait3A_498] : memref<4x400x64xf32, #tpu.memory_space<vmem>> -> memref<1x200x64xf32, #tpu.memory_space<vmem>>
        %dma_wait3A_500 = tpu.memref_squeeze %dma_wait3A_499 : memref<1x200x64xf32, #tpu.memory_space<vmem>> -> memref<200x64xf32, #tpu.memory_space<vmem>>
        %dma_wait3A_501 = arith.constant 0 : i32
        %dma_wait3A_502 = arith.constant 0 : i32
        %dma_wait3A_503 = tpu.memref_slice %arg4[%add3A_495, %dma_wait3A_501, %dma_wait3A_502] : memref<4096x200x64xf32, #tpu.memory_space<hbm>> -> memref<1x200x64xf32, #tpu.memory_space<hbm>>
        %dma_wait3A_504 = tpu.memref_squeeze %dma_wait3A_503 : memref<1x200x64xf32, #tpu.memory_space<hbm>> -> memref<200x64xf32, #tpu.memory_space<hbm>>
        %dma_wait3A_505 = arith.constant 0 : i32
        %dma_wait3A_506 = arith.constant 0 : i32
        %dma_wait3A_507 = tpu.memref_slice %arg4[%add3A_495, %dma_wait3A_505, %dma_wait3A_506] : memref<4096x200x64xf32, #tpu.memory_space<hbm>> -> memref<1x200x64xf32, #tpu.memory_space<hbm>>
        %dma_wait3A_508 = tpu.memref_squeeze %dma_wait3A_507 : memref<1x200x64xf32, #tpu.memory_space<hbm>> -> memref<200x64xf32, #tpu.memory_space<hbm>>
        %dma_wait3A_509 = arith.constant 200 : i32
        %dma_wait3A_510 = arith.constant 0 : i32
        %dma_wait3A_511 = tpu.memref_slice %arg6[%dma_wait3A_496, %dma_wait3A_509, %dma_wait3A_510] : memref<4x400x64xf32, #tpu.memory_space<vmem>> -> memref<1x200x64xf32, #tpu.memory_space<vmem>>
        %dma_wait3A_512 = tpu.memref_squeeze %dma_wait3A_511 : memref<1x200x64xf32, #tpu.memory_space<vmem>> -> memref<200x64xf32, #tpu.memory_space<vmem>>
        tpu.wait_dma2 semaphore(%arg11 : memref<!tpu.dma_semaphore, #tpu.memory_space<semaphore_mem>>) src(%dma_wait3A_512 : memref<200x64xf32, #tpu.memory_space<vmem>>) dst(%dma_wait3A_508 : memref<200x64xf32, #tpu.memory_space<hbm>>)
      } else {
      }
      %mul3A_179 = arith.constant 400 : i32
      %mul3A_180 = arith.muli %add3A_173, %mul3A_179 : i32
      %dma_start3A = arith.constant 0 : i32
      %dma_start3A_181 = arith.constant 0 : i32
      %dma_start3A_182 = arith.constant 0 : i32
      %dma_start3A_183 = tpu.memref_slice %arg6[%dma_start3A, %dma_start3A_181, %dma_start3A_182] : memref<4x400x64xf32, #tpu.memory_space<vmem>> -> memref<1x400x64xf32, #tpu.memory_space<vmem>>
      %dma_start3A_184 = tpu.memref_squeeze %dma_start3A_183 : memref<1x400x64xf32, #tpu.memory_space<vmem>> -> memref<400x64xf32, #tpu.memory_space<vmem>>
      %dma_start3A_185 = tpu.memref_slice %arg5[%mul3A_180] : memref<25600xi32, #tpu.memory_space<vmem>> -> memref<400xi32, #tpu.memory_space<vmem>>
      %dma_start3A_186 = arith.constant 0 : i32
      %dma_start3A_187 = arith.constant 0 : i32
      %dma_start3A_188 = tpu.memref_slice %arg3[%dma_start3A_186, %dma_start3A_187] : memref<1000000x64xf32, #tpu.memory_space<hbm>> -> memref<1000000x64xf32, #tpu.memory_space<hbm>>
      tpu.enqueue_indirect_dma source(%dma_start3A_188 : memref<1000000x64xf32, #tpu.memory_space<hbm>>) target(%dma_start3A_184 : memref<400x64xf32, #tpu.memory_space<vmem>>) offsets(%dma_start3A_185 : memref<400xi32, #tpu.memory_space<vmem>>) semaphore(%arg7 : memref<!tpu.dma_semaphore, #tpu.memory_space<semaphore_mem>>)
      %mul3A_189 = arith.constant 4 : i32
      %mul3A_190 = arith.muli %scan3A_169, %mul3A_189 : i32
      %add3A_191 = arith.constant 1 : i32
      %add3A_192 = arith.addi %mul3A_190, %add3A_191 : i32
      %mul3A_193 = arith.constant 2 : i32
      %mul3A_194 = arith.muli %add3A_192, %mul3A_193 : i32
      %add3A_195 = arith.addi %mul3A_2, %mul3A_194 : i32
      %gt3A_196 = arith.constant 0 : i32
      %gt3A_197 = arith.cmpi sgt, %scan3A_169, %gt3A_196 : i32
      %convert_element_type3A_198 = arith.extui %gt3A_197 : i1 to i32
      %cond3A_199 = arith.constant 0 : i32
      %cond3A_200 = arith.cmpi ne, %convert_element_type3A_198, %cond3A_199 : i32
      scf.if %cond3A_200 {
        %sub3A = arith.constant 8 : i32
        %sub3A_474 = arith.subi %add3A_195, %sub3A : i32
        %add3A_475 = arith.constant 0 : i32
        %add3A_476 = arith.addi %sub3A_474, %add3A_475 : i32
        %dma_wait3A_477 = arith.constant 1 : i32
        %dma_wait3A_478 = arith.constant 0 : i32
        %dma_wait3A_479 = arith.constant 0 : i32
        %dma_wait3A_480 = tpu.memref_slice %arg6[%dma_wait3A_477, %dma_wait3A_478, %dma_wait3A_479] : memref<4x400x64xf32, #tpu.memory_space<vmem>> -> memref<1x200x64xf32, #tpu.memory_space<vmem>>
        %dma_wait3A_481 = tpu.memref_squeeze %dma_wait3A_480 : memref<1x200x64xf32, #tpu.memory_space<vmem>> -> memref<200x64xf32, #tpu.memory_space<vmem>>
        %dma_wait3A_482 = arith.constant 0 : i32
        %dma_wait3A_483 = arith.constant 0 : i32
        %dma_wait3A_484 = tpu.memref_slice %arg4[%add3A_476, %dma_wait3A_482, %dma_wait3A_483] : memref<4096x200x64xf32, #tpu.memory_space<hbm>> -> memref<1x200x64xf32, #tpu.memory_space<hbm>>
        %dma_wait3A_485 = tpu.memref_squeeze %dma_wait3A_484 : memref<1x200x64xf32, #tpu.memory_space<hbm>> -> memref<200x64xf32, #tpu.memory_space<hbm>>
        %dma_wait3A_486 = arith.constant 0 : i32
        %dma_wait3A_487 = arith.constant 0 : i32
        %dma_wait3A_488 = tpu.memref_slice %arg4[%add3A_476, %dma_wait3A_486, %dma_wait3A_487] : memref<4096x200x64xf32, #tpu.memory_space<hbm>> -> memref<1x200x64xf32, #tpu.memory_space<hbm>>
        %dma_wait3A_489 = tpu.memref_squeeze %dma_wait3A_488 : memref<1x200x64xf32, #tpu.memory_space<hbm>> -> memref<200x64xf32, #tpu.memory_space<hbm>>
        %dma_wait3A_490 = arith.constant 0 : i32
        %dma_wait3A_491 = arith.constant 0 : i32
        %dma_wait3A_492 = tpu.memref_slice %arg6[%dma_wait3A_477, %dma_wait3A_490, %dma_wait3A_491] : memref<4x400x64xf32, #tpu.memory_space<vmem>> -> memref<1x200x64xf32, #tpu.memory_space<vmem>>
        %dma_wait3A_493 = tpu.memref_squeeze %dma_wait3A_492 : memref<1x200x64xf32, #tpu.memory_space<vmem>> -> memref<200x64xf32, #tpu.memory_space<vmem>>
        tpu.wait_dma2 semaphore(%arg12 : memref<!tpu.dma_semaphore, #tpu.memory_space<semaphore_mem>>) src(%dma_wait3A_493 : memref<200x64xf32, #tpu.memory_space<vmem>>) dst(%dma_wait3A_489 : memref<200x64xf32, #tpu.memory_space<hbm>>)
        %add3A_494 = arith.constant 1 : i32
        %add3A_495 = arith.addi %sub3A_474, %add3A_494 : i32
        %dma_wait3A_496 = arith.constant 1 : i32
        %dma_wait3A_497 = arith.constant 200 : i32
        %dma_wait3A_498 = arith.constant 0 : i32
        %dma_wait3A_499 = tpu.memref_slice %arg6[%dma_wait3A_496, %dma_wait3A_497, %dma_wait3A_498] : memref<4x400x64xf32, #tpu.memory_space<vmem>> -> memref<1x200x64xf32, #tpu.memory_space<vmem>>
        %dma_wait3A_500 = tpu.memref_squeeze %dma_wait3A_499 : memref<1x200x64xf32, #tpu.memory_space<vmem>> -> memref<200x64xf32, #tpu.memory_space<vmem>>
        %dma_wait3A_501 = arith.constant 0 : i32
        %dma_wait3A_502 = arith.constant 0 : i32
        %dma_wait3A_503 = tpu.memref_slice %arg4[%add3A_495, %dma_wait3A_501, %dma_wait3A_502] : memref<4096x200x64xf32, #tpu.memory_space<hbm>> -> memref<1x200x64xf32, #tpu.memory_space<hbm>>
        %dma_wait3A_504 = tpu.memref_squeeze %dma_wait3A_503 : memref<1x200x64xf32, #tpu.memory_space<hbm>> -> memref<200x64xf32, #tpu.memory_space<hbm>>
        %dma_wait3A_505 = arith.constant 0 : i32
        %dma_wait3A_506 = arith.constant 0 : i32
        %dma_wait3A_507 = tpu.memref_slice %arg4[%add3A_495, %dma_wait3A_505, %dma_wait3A_506] : memref<4096x200x64xf32, #tpu.memory_space<hbm>> -> memref<1x200x64xf32, #tpu.memory_space<hbm>>
        %dma_wait3A_508 = tpu.memref_squeeze %dma_wait3A_507 : memref<1x200x64xf32, #tpu.memory_space<hbm>> -> memref<200x64xf32, #tpu.memory_space<hbm>>
        %dma_wait3A_509 = arith.constant 200 : i32
        %dma_wait3A_510 = arith.constant 0 : i32
        %dma_wait3A_511 = tpu.memref_slice %arg6[%dma_wait3A_496, %dma_wait3A_509, %dma_wait3A_510] : memref<4x400x64xf32, #tpu.memory_space<vmem>> -> memref<1x200x64xf32, #tpu.memory_space<vmem>>
        %dma_wait3A_512 = tpu.memref_squeeze %dma_wait3A_511 : memref<1x200x64xf32, #tpu.memory_space<vmem>> -> memref<200x64xf32, #tpu.memory_space<vmem>>
        tpu.wait_dma2 semaphore(%arg12 : memref<!tpu.dma_semaphore, #tpu.memory_space<semaphore_mem>>) src(%dma_wait3A_512 : memref<200x64xf32, #tpu.memory_space<vmem>>) dst(%dma_wait3A_508 : memref<200x64xf32, #tpu.memory_space<hbm>>)
      } else {
      }
      %mul3A_201 = arith.constant 400 : i32
      %mul3A_202 = arith.muli %add3A_192, %mul3A_201 : i32
      %dma_start3A_203 = arith.constant 1 : i32
      %dma_start3A_204 = arith.constant 0 : i32
      %dma_start3A_205 = arith.constant 0 : i32
      %dma_start3A_206 = tpu.memref_slice %arg6[%dma_start3A_203, %dma_start3A_204, %dma_start3A_205] : memref<4x400x64xf32, #tpu.memory_space<vmem>> -> memref<1x400x64xf32, #tpu.memory_space<vmem>>
      %dma_start3A_207 = tpu.memref_squeeze %dma_start3A_206 : memref<1x400x64xf32, #tpu.memory_space<vmem>> -> memref<400x64xf32, #tpu.memory_space<vmem>>
      %dma_start3A_208 = tpu.memref_slice %arg5[%mul3A_202] : memref<25600xi32, #tpu.memory_space<vmem>> -> memref<400xi32, #tpu.memory_space<vmem>>
      %dma_start3A_209 = arith.constant 0 : i32
      %dma_start3A_210 = arith.constant 0 : i32
      %dma_start3A_211 = tpu.memref_slice %arg3[%dma_start3A_209, %dma_start3A_210] : memref<1000000x64xf32, #tpu.memory_space<hbm>> -> memref<1000000x64xf32, #tpu.memory_space<hbm>>
      tpu.enqueue_indirect_dma source(%dma_start3A_211 : memref<1000000x64xf32, #tpu.memory_space<hbm>>) target(%dma_start3A_207 : memref<400x64xf32, #tpu.memory_space<vmem>>) offsets(%dma_start3A_208 : memref<400xi32, #tpu.memory_space<vmem>>) semaphore(%arg8 : memref<!tpu.dma_semaphore, #tpu.memory_space<semaphore_mem>>)
      %mul3A_212 = arith.constant 4 : i32
      %mul3A_213 = arith.muli %scan3A_169, %mul3A_212 : i32
      %add3A_214 = arith.constant 2 : i32
      %add3A_215 = arith.addi %mul3A_213, %add3A_214 : i32
      %mul3A_216 = arith.constant 2 : i32
      %mul3A_217 = arith.muli %add3A_215, %mul3A_216 : i32
      %add3A_218 = arith.addi %mul3A_2, %mul3A_217 : i32
      %gt3A_219 = arith.constant 0 : i32
      %gt3A_220 = arith.cmpi sgt, %scan3A_169, %gt3A_219 : i32
      %convert_element_type3A_221 = arith.extui %gt3A_220 : i1 to i32
      %cond3A_222 = arith.constant 0 : i32
      %cond3A_223 = arith.cmpi ne, %convert_element_type3A_221, %cond3A_222 : i32
      scf.if %cond3A_223 {
        %sub3A = arith.constant 8 : i32
        %sub3A_474 = arith.subi %add3A_218, %sub3A : i32
        %add3A_475 = arith.constant 0 : i32
        %add3A_476 = arith.addi %sub3A_474, %add3A_475 : i32
        %dma_wait3A_477 = arith.constant 2 : i32
        %dma_wait3A_478 = arith.constant 0 : i32
        %dma_wait3A_479 = arith.constant 0 : i32
        %dma_wait3A_480 = tpu.memref_slice %arg6[%dma_wait3A_477, %dma_wait3A_478, %dma_wait3A_479] : memref<4x400x64xf32, #tpu.memory_space<vmem>> -> memref<1x200x64xf32, #tpu.memory_space<vmem>>
        %dma_wait3A_481 = tpu.memref_squeeze %dma_wait3A_480 : memref<1x200x64xf32, #tpu.memory_space<vmem>> -> memref<200x64xf32, #tpu.memory_space<vmem>>
        %dma_wait3A_482 = arith.constant 0 : i32
        %dma_wait3A_483 = arith.constant 0 : i32
        %dma_wait3A_484 = tpu.memref_slice %arg4[%add3A_476, %dma_wait3A_482, %dma_wait3A_483] : memref<4096x200x64xf32, #tpu.memory_space<hbm>> -> memref<1x200x64xf32, #tpu.memory_space<hbm>>
        %dma_wait3A_485 = tpu.memref_squeeze %dma_wait3A_484 : memref<1x200x64xf32, #tpu.memory_space<hbm>> -> memref<200x64xf32, #tpu.memory_space<hbm>>
        %dma_wait3A_486 = arith.constant 0 : i32
        %dma_wait3A_487 = arith.constant 0 : i32
        %dma_wait3A_488 = tpu.memref_slice %arg4[%add3A_476, %dma_wait3A_486, %dma_wait3A_487] : memref<4096x200x64xf32, #tpu.memory_space<hbm>> -> memref<1x200x64xf32, #tpu.memory_space<hbm>>
        %dma_wait3A_489 = tpu.memref_squeeze %dma_wait3A_488 : memref<1x200x64xf32, #tpu.memory_space<hbm>> -> memref<200x64xf32, #tpu.memory_space<hbm>>
        %dma_wait3A_490 = arith.constant 0 : i32
        %dma_wait3A_491 = arith.constant 0 : i32
        %dma_wait3A_492 = tpu.memref_slice %arg6[%dma_wait3A_477, %dma_wait3A_490, %dma_wait3A_491] : memref<4x400x64xf32, #tpu.memory_space<vmem>> -> memref<1x200x64xf32, #tpu.memory_space<vmem>>
        %dma_wait3A_493 = tpu.memref_squeeze %dma_wait3A_492 : memref<1x200x64xf32, #tpu.memory_space<vmem>> -> memref<200x64xf32, #tpu.memory_space<vmem>>
        tpu.wait_dma2 semaphore(%arg13 : memref<!tpu.dma_semaphore, #tpu.memory_space<semaphore_mem>>) src(%dma_wait3A_493 : memref<200x64xf32, #tpu.memory_space<vmem>>) dst(%dma_wait3A_489 : memref<200x64xf32, #tpu.memory_space<hbm>>)
        %add3A_494 = arith.constant 1 : i32
        %add3A_495 = arith.addi %sub3A_474, %add3A_494 : i32
        %dma_wait3A_496 = arith.constant 2 : i32
        %dma_wait3A_497 = arith.constant 200 : i32
        %dma_wait3A_498 = arith.constant 0 : i32
        %dma_wait3A_499 = tpu.memref_slice %arg6[%dma_wait3A_496, %dma_wait3A_497, %dma_wait3A_498] : memref<4x400x64xf32, #tpu.memory_space<vmem>> -> memref<1x200x64xf32, #tpu.memory_space<vmem>>
        %dma_wait3A_500 = tpu.memref_squeeze %dma_wait3A_499 : memref<1x200x64xf32, #tpu.memory_space<vmem>> -> memref<200x64xf32, #tpu.memory_space<vmem>>
        %dma_wait3A_501 = arith.constant 0 : i32
        %dma_wait3A_502 = arith.constant 0 : i32
        %dma_wait3A_503 = tpu.memref_slice %arg4[%add3A_495, %dma_wait3A_501, %dma_wait3A_502] : memref<4096x200x64xf32, #tpu.memory_space<hbm>> -> memref<1x200x64xf32, #tpu.memory_space<hbm>>
        %dma_wait3A_504 = tpu.memref_squeeze %dma_wait3A_503 : memref<1x200x64xf32, #tpu.memory_space<hbm>> -> memref<200x64xf32, #tpu.memory_space<hbm>>
        %dma_wait3A_505 = arith.constant 0 : i32
        %dma_wait3A_506 = arith.constant 0 : i32
        %dma_wait3A_507 = tpu.memref_slice %arg4[%add3A_495, %dma_wait3A_505, %dma_wait3A_506] : memref<4096x200x64xf32, #tpu.memory_space<hbm>> -> memref<1x200x64xf32, #tpu.memory_space<hbm>>
        %dma_wait3A_508 = tpu.memref_squeeze %dma_wait3A_507 : memref<1x200x64xf32, #tpu.memory_space<hbm>> -> memref<200x64xf32, #tpu.memory_space<hbm>>
        %dma_wait3A_509 = arith.constant 200 : i32
        %dma_wait3A_510 = arith.constant 0 : i32
        %dma_wait3A_511 = tpu.memref_slice %arg6[%dma_wait3A_496, %dma_wait3A_509, %dma_wait3A_510] : memref<4x400x64xf32, #tpu.memory_space<vmem>> -> memref<1x200x64xf32, #tpu.memory_space<vmem>>
        %dma_wait3A_512 = tpu.memref_squeeze %dma_wait3A_511 : memref<1x200x64xf32, #tpu.memory_space<vmem>> -> memref<200x64xf32, #tpu.memory_space<vmem>>
        tpu.wait_dma2 semaphore(%arg13 : memref<!tpu.dma_semaphore, #tpu.memory_space<semaphore_mem>>) src(%dma_wait3A_512 : memref<200x64xf32, #tpu.memory_space<vmem>>) dst(%dma_wait3A_508 : memref<200x64xf32, #tpu.memory_space<hbm>>)
      } else {
      }
      %mul3A_224 = arith.constant 400 : i32
      %mul3A_225 = arith.muli %add3A_215, %mul3A_224 : i32
      %dma_start3A_226 = arith.constant 2 : i32
      %dma_start3A_227 = arith.constant 0 : i32
      %dma_start3A_228 = arith.constant 0 : i32
      %dma_start3A_229 = tpu.memref_slice %arg6[%dma_start3A_226, %dma_start3A_227, %dma_start3A_228] : memref<4x400x64xf32, #tpu.memory_space<vmem>> -> memref<1x400x64xf32, #tpu.memory_space<vmem>>
      %dma_start3A_230 = tpu.memref_squeeze %dma_start3A_229 : memref<1x400x64xf32, #tpu.memory_space<vmem>> -> memref<400x64xf32, #tpu.memory_space<vmem>>
      %dma_start3A_231 = tpu.memref_slice %arg5[%mul3A_225] : memref<25600xi32, #tpu.memory_space<vmem>> -> memref<400xi32, #tpu.memory_space<vmem>>
      %dma_start3A_232 = arith.constant 0 : i32
      %dma_start3A_233 = arith.constant 0 : i32
      %dma_start3A_234 = tpu.memref_slice %arg3[%dma_start3A_232, %dma_start3A_233] : memref<1000000x64xf32, #tpu.memory_space<hbm>> -> memref<1000000x64xf32, #tpu.memory_space<hbm>>
      tpu.enqueue_indirect_dma source(%dma_start3A_234 : memref<1000000x64xf32, #tpu.memory_space<hbm>>) target(%dma_start3A_230 : memref<400x64xf32, #tpu.memory_space<vmem>>) offsets(%dma_start3A_231 : memref<400xi32, #tpu.memory_space<vmem>>) semaphore(%arg9 : memref<!tpu.dma_semaphore, #tpu.memory_space<semaphore_mem>>)
      %mul3A_235 = arith.constant 4 : i32
      %mul3A_236 = arith.muli %scan3A_169, %mul3A_235 : i32
      %add3A_237 = arith.constant 3 : i32
      %add3A_238 = arith.addi %mul3A_236, %add3A_237 : i32
      %mul3A_239 = arith.constant 2 : i32
      %mul3A_240 = arith.muli %add3A_238, %mul3A_239 : i32
      %add3A_241 = arith.addi %mul3A_2, %mul3A_240 : i32
      %gt3A_242 = arith.constant 0 : i32
      %gt3A_243 = arith.cmpi sgt, %scan3A_169, %gt3A_242 : i32
      %convert_element_type3A_244 = arith.extui %gt3A_243 : i1 to i32
      %cond3A_245 = arith.constant 0 : i32
      %cond3A_246 = arith.cmpi ne, %convert_element_type3A_244, %cond3A_245 : i32
      scf.if %cond3A_246 {
        %sub3A = arith.constant 8 : i32
        %sub3A_474 = arith.subi %add3A_241, %sub3A : i32
        %add3A_475 = arith.constant 0 : i32
        %add3A_476 = arith.addi %sub3A_474, %add3A_475 : i32
        %dma_wait3A_477 = arith.constant 3 : i32
        %dma_wait3A_478 = arith.constant 0 : i32
        %dma_wait3A_479 = arith.constant 0 : i32
        %dma_wait3A_480 = tpu.memref_slice %arg6[%dma_wait3A_477, %dma_wait3A_478, %dma_wait3A_479] : memref<4x400x64xf32, #tpu.memory_space<vmem>> -> memref<1x200x64xf32, #tpu.memory_space<vmem>>
        %dma_wait3A_481 = tpu.memref_squeeze %dma_wait3A_480 : memref<1x200x64xf32, #tpu.memory_space<vmem>> -> memref<200x64xf32, #tpu.memory_space<vmem>>
        %dma_wait3A_482 = arith.constant 0 : i32
        %dma_wait3A_483 = arith.constant 0 : i32
        %dma_wait3A_484 = tpu.memref_slice %arg4[%add3A_476, %dma_wait3A_482, %dma_wait3A_483] : memref<4096x200x64xf32, #tpu.memory_space<hbm>> -> memref<1x200x64xf32, #tpu.memory_space<hbm>>
        %dma_wait3A_485 = tpu.memref_squeeze %dma_wait3A_484 : memref<1x200x64xf32, #tpu.memory_space<hbm>> -> memref<200x64xf32, #tpu.memory_space<hbm>>
        %dma_wait3A_486 = arith.constant 0 : i32
        %dma_wait3A_487 = arith.constant 0 : i32
        %dma_wait3A_488 = tpu.memref_slice %arg4[%add3A_476, %dma_wait3A_486, %dma_wait3A_487] : memref<4096x200x64xf32, #tpu.memory_space<hbm>> -> memref<1x200x64xf32, #tpu.memory_space<hbm>>
        %dma_wait3A_489 = tpu.memref_squeeze %dma_wait3A_488 : memref<1x200x64xf32, #tpu.memory_space<hbm>> -> memref<200x64xf32, #tpu.memory_space<hbm>>
        %dma_wait3A_490 = arith.constant 0 : i32
        %dma_wait3A_491 = arith.constant 0 : i32
        %dma_wait3A_492 = tpu.memref_slice %arg6[%dma_wait3A_477, %dma_wait3A_490, %dma_wait3A_491] : memref<4x400x64xf32, #tpu.memory_space<vmem>> -> memref<1x200x64xf32, #tpu.memory_space<vmem>>
        %dma_wait3A_493 = tpu.memref_squeeze %dma_wait3A_492 : memref<1x200x64xf32, #tpu.memory_space<vmem>> -> memref<200x64xf32, #tpu.memory_space<vmem>>
        tpu.wait_dma2 semaphore(%arg14 : memref<!tpu.dma_semaphore, #tpu.memory_space<semaphore_mem>>) src(%dma_wait3A_493 : memref<200x64xf32, #tpu.memory_space<vmem>>) dst(%dma_wait3A_489 : memref<200x64xf32, #tpu.memory_space<hbm>>)
        %add3A_494 = arith.constant 1 : i32
        %add3A_495 = arith.addi %sub3A_474, %add3A_494 : i32
        %dma_wait3A_496 = arith.constant 3 : i32
        %dma_wait3A_497 = arith.constant 200 : i32
        %dma_wait3A_498 = arith.constant 0 : i32
        %dma_wait3A_499 = tpu.memref_slice %arg6[%dma_wait3A_496, %dma_wait3A_497, %dma_wait3A_498] : memref<4x400x64xf32, #tpu.memory_space<vmem>> -> memref<1x200x64xf32, #tpu.memory_space<vmem>>
        %dma_wait3A_500 = tpu.memref_squeeze %dma_wait3A_499 : memref<1x200x64xf32, #tpu.memory_space<vmem>> -> memref<200x64xf32, #tpu.memory_space<vmem>>
        %dma_wait3A_501 = arith.constant 0 : i32
        %dma_wait3A_502 = arith.constant 0 : i32
        %dma_wait3A_503 = tpu.memref_slice %arg4[%add3A_495, %dma_wait3A_501, %dma_wait3A_502] : memref<4096x200x64xf32, #tpu.memory_space<hbm>> -> memref<1x200x64xf32, #tpu.memory_space<hbm>>
        %dma_wait3A_504 = tpu.memref_squeeze %dma_wait3A_503 : memref<1x200x64xf32, #tpu.memory_space<hbm>> -> memref<200x64xf32, #tpu.memory_space<hbm>>
        %dma_wait3A_505 = arith.constant 0 : i32
        %dma_wait3A_506 = arith.constant 0 : i32
        %dma_wait3A_507 = tpu.memref_slice %arg4[%add3A_495, %dma_wait3A_505, %dma_wait3A_506] : memref<4096x200x64xf32, #tpu.memory_space<hbm>> -> memref<1x200x64xf32, #tpu.memory_space<hbm>>
        %dma_wait3A_508 = tpu.memref_squeeze %dma_wait3A_507 : memref<1x200x64xf32, #tpu.memory_space<hbm>> -> memref<200x64xf32, #tpu.memory_space<hbm>>
        %dma_wait3A_509 = arith.constant 200 : i32
        %dma_wait3A_510 = arith.constant 0 : i32
        %dma_wait3A_511 = tpu.memref_slice %arg6[%dma_wait3A_496, %dma_wait3A_509, %dma_wait3A_510] : memref<4x400x64xf32, #tpu.memory_space<vmem>> -> memref<1x200x64xf32, #tpu.memory_space<vmem>>
        %dma_wait3A_512 = tpu.memref_squeeze %dma_wait3A_511 : memref<1x200x64xf32, #tpu.memory_space<vmem>> -> memref<200x64xf32, #tpu.memory_space<vmem>>
        tpu.wait_dma2 semaphore(%arg14 : memref<!tpu.dma_semaphore, #tpu.memory_space<semaphore_mem>>) src(%dma_wait3A_512 : memref<200x64xf32, #tpu.memory_space<vmem>>) dst(%dma_wait3A_508 : memref<200x64xf32, #tpu.memory_space<hbm>>)
      } else {
      }
      %mul3A_247 = arith.constant 400 : i32
      %mul3A_248 = arith.muli %add3A_238, %mul3A_247 : i32
      %dma_start3A_249 = arith.constant 3 : i32
      %dma_start3A_250 = arith.constant 0 : i32
      %dma_start3A_251 = arith.constant 0 : i32
      %dma_start3A_252 = tpu.memref_slice %arg6[%dma_start3A_249, %dma_start3A_250, %dma_start3A_251] : memref<4x400x64xf32, #tpu.memory_space<vmem>> -> memref<1x400x64xf32, #tpu.memory_space<vmem>>
      %dma_start3A_253 = tpu.memref_squeeze %dma_start3A_252 : memref<1x400x64xf32, #tpu.memory_space<vmem>> -> memref<400x64xf32, #tpu.memory_space<vmem>>
      %dma_start3A_254 = tpu.memref_slice %arg5[%mul3A_248] : memref<25600xi32, #tpu.memory_space<vmem>> -> memref<400xi32, #tpu.memory_space<vmem>>
      %dma_start3A_255 = arith.constant 0 : i32
      %dma_start3A_256 = arith.constant 0 : i32
      %dma_start3A_257 = tpu.memref_slice %arg3[%dma_start3A_255, %dma_start3A_256] : memref<1000000x64xf32, #tpu.memory_space<hbm>> -> memref<1000000x64xf32, #tpu.memory_space<hbm>>
      tpu.enqueue_indirect_dma source(%dma_start3A_257 : memref<1000000x64xf32, #tpu.memory_space<hbm>>) target(%dma_start3A_253 : memref<400x64xf32, #tpu.memory_space<vmem>>) offsets(%dma_start3A_254 : memref<400xi32, #tpu.memory_space<vmem>>) semaphore(%arg10 : memref<!tpu.dma_semaphore, #tpu.memory_space<semaphore_mem>>)
      %mul3A_258 = arith.constant 4 : i32
      %mul3A_259 = arith.muli %scan3A_169, %mul3A_258 : i32
      %add3A_260 = arith.constant 0 : i32
      %add3A_261 = arith.addi %mul3A_259, %add3A_260 : i32
      %mul3A_262 = arith.constant 2 : i32
      %mul3A_263 = arith.muli %add3A_261, %mul3A_262 : i32
      %add3A_264 = arith.addi %mul3A_2, %mul3A_263 : i32
      %dma_wait3A_265 = arith.constant 0 : i32
      %dma_wait3A_266 = arith.constant 0 : i32
      %dma_wait3A_267 = arith.constant 0 : i32
      %dma_wait3A_268 = tpu.memref_slice %arg6[%dma_wait3A_265, %dma_wait3A_266, %dma_wait3A_267] : memref<4x400x64xf32, #tpu.memory_space<vmem>> -> memref<1x400x64xf32, #tpu.memory_space<vmem>>
      %dma_wait3A_269 = tpu.memref_squeeze %dma_wait3A_268 : memref<1x400x64xf32, #tpu.memory_space<vmem>> -> memref<400x64xf32, #tpu.memory_space<vmem>>
      %dma_wait3A_270 = tpu.memref_slice %arg5[%mul3A_180] : memref<25600xi32, #tpu.memory_space<vmem>> -> memref<400xi32, #tpu.memory_space<vmem>>
      %dma_wait3A_271 = arith.constant 0 : i32
      %dma_wait3A_272 = arith.constant 0 : i32
      %dma_wait3A_273 = tpu.memref_slice %arg3[%dma_wait3A_271, %dma_wait3A_272] : memref<1000000x64xf32, #tpu.memory_space<hbm>> -> memref<1000000x64xf32, #tpu.memory_space<hbm>>
      tpu.wait_indirect_dma semaphore(%arg7 : memref<!tpu.dma_semaphore, #tpu.memory_space<semaphore_mem>>) src(%dma_wait3A_273 : memref<1000000x64xf32, #tpu.memory_space<hbm>>) dst(%dma_wait3A_269 : memref<400x64xf32, #tpu.memory_space<vmem>>)
      %add3A_274 = arith.constant 0 : i32
      %add3A_275 = arith.addi %add3A_264, %add3A_274 : i32
      %dma_start3A_276 = arith.constant 0 : i32
      %dma_start3A_277 = arith.constant 0 : i32
      %dma_start3A_278 = arith.constant 0 : i32
      %dma_start3A_279 = tpu.memref_slice %arg6[%dma_start3A_276, %dma_start3A_277, %dma_start3A_278] : memref<4x400x64xf32, #tpu.memory_space<vmem>> -> memref<1x200x64xf32, #tpu.memory_space<vmem>>
      %dma_start3A_280 = tpu.memref_squeeze %dma_start3A_279 : memref<1x200x64xf32, #tpu.memory_space<vmem>> -> memref<200x64xf32, #tpu.memory_space<vmem>>
      %dma_start3A_281 = arith.constant 0 : i32
      %dma_start3A_282 = arith.constant 0 : i32
      %dma_start3A_283 = tpu.memref_slice %arg4[%add3A_275, %dma_start3A_281, %dma_start3A_282] : memref<4096x200x64xf32, #tpu.memory_space<hbm>> -> memref<1x200x64xf32, #tpu.memory_space<hbm>>
      %dma_start3A_284 = tpu.memref_squeeze %dma_start3A_283 : memref<1x200x64xf32, #tpu.memory_space<hbm>> -> memref<200x64xf32, #tpu.memory_space<hbm>>
      %dma_start3A_285 = arith.constant 0 : i32
      %dma_start3A_286 = arith.constant 0 : i32
      %dma_start3A_287 = tpu.memref_slice %arg4[%add3A_275, %dma_start3A_285, %dma_start3A_286] : memref<4096x200x64xf32, #tpu.memory_space<hbm>> -> memref<1x200x64xf32, #tpu.memory_space<hbm>>
      %dma_start3A_288 = tpu.memref_squeeze %dma_start3A_287 : memref<1x200x64xf32, #tpu.memory_space<hbm>> -> memref<200x64xf32, #tpu.memory_space<hbm>>
      %dma_start3A_289 = arith.constant 0 : i32
      %dma_start3A_290 = arith.constant 0 : i32
      %dma_start3A_291 = tpu.memref_slice %arg6[%dma_start3A_276, %dma_start3A_289, %dma_start3A_290] : memref<4x400x64xf32, #tpu.memory_space<vmem>> -> memref<1x200x64xf32, #tpu.memory_space<vmem>>
      %dma_start3A_292 = tpu.memref_squeeze %dma_start3A_291 : memref<1x200x64xf32, #tpu.memory_space<vmem>> -> memref<200x64xf32, #tpu.memory_space<vmem>>
      tpu.enqueue_dma source(%dma_start3A_292 : memref<200x64xf32, #tpu.memory_space<vmem>>) target(%dma_start3A_288 : memref<200x64xf32, #tpu.memory_space<hbm>>) target_semaphore(%arg11 : memref<!tpu.dma_semaphore, #tpu.memory_space<semaphore_mem>>)
      %add3A_293 = arith.constant 1 : i32
      %add3A_294 = arith.addi %add3A_264, %add3A_293 : i32
      %dma_start3A_295 = arith.constant 0 : i32
      %dma_start3A_296 = arith.constant 200 : i32
      %dma_start3A_297 = arith.constant 0 : i32
      %dma_start3A_298 = tpu.memref_slice %arg6[%dma_start3A_295, %dma_start3A_296, %dma_start3A_297] : memref<4x400x64xf32, #tpu.memory_space<vmem>> -> memref<1x200x64xf32, #tpu.memory_space<vmem>>
      %dma_start3A_299 = tpu.memref_squeeze %dma_start3A_298 : memref<1x200x64xf32, #tpu.memory_space<vmem>> -> memref<200x64xf32, #tpu.memory_space<vmem>>
      %dma_start3A_300 = arith.constant 0 : i32
      %dma_start3A_301 = arith.constant 0 : i32
      %dma_start3A_302 = tpu.memref_slice %arg4[%add3A_294, %dma_start3A_300, %dma_start3A_301] : memref<4096x200x64xf32, #tpu.memory_space<hbm>> -> memref<1x200x64xf32, #tpu.memory_space<hbm>>
      %dma_start3A_303 = tpu.memref_squeeze %dma_start3A_302 : memref<1x200x64xf32, #tpu.memory_space<hbm>> -> memref<200x64xf32, #tpu.memory_space<hbm>>
      %dma_start3A_304 = arith.constant 0 : i32
      %dma_start3A_305 = arith.constant 0 : i32
      %dma_start3A_306 = tpu.memref_slice %arg4[%add3A_294, %dma_start3A_304, %dma_start3A_305] : memref<4096x200x64xf32, #tpu.memory_space<hbm>> -> memref<1x200x64xf32, #tpu.memory_space<hbm>>
      %dma_start3A_307 = tpu.memref_squeeze %dma_start3A_306 : memref<1x200x64xf32, #tpu.memory_space<hbm>> -> memref<200x64xf32, #tpu.memory_space<hbm>>
      %dma_start3A_308 = arith.constant 200 : i32
      %dma_start3A_309 = arith.constant 0 : i32
      %dma_start3A_310 = tpu.memref_slice %arg6[%dma_start3A_295, %dma_start3A_308, %dma_start3A_309] : memref<4x400x64xf32, #tpu.memory_space<vmem>> -> memref<1x200x64xf32, #tpu.memory_space<vmem>>
      %dma_start3A_311 = tpu.memref_squeeze %dma_start3A_310 : memref<1x200x64xf32, #tpu.memory_space<vmem>> -> memref<200x64xf32, #tpu.memory_space<vmem>>
      tpu.enqueue_dma source(%dma_start3A_311 : memref<200x64xf32, #tpu.memory_space<vmem>>) target(%dma_start3A_307 : memref<200x64xf32, #tpu.memory_space<hbm>>) target_semaphore(%arg11 : memref<!tpu.dma_semaphore, #tpu.memory_space<semaphore_mem>>)
      %mul3A_312 = arith.constant 4 : i32
      %mul3A_313 = arith.muli %scan3A_169, %mul3A_312 : i32
      %add3A_314 = arith.constant 1 : i32
      %add3A_315 = arith.addi %mul3A_313, %add3A_314 : i32
      %mul3A_316 = arith.constant 2 : i32
      %mul3A_317 = arith.muli %add3A_315, %mul3A_316 : i32
      %add3A_318 = arith.addi %mul3A_2, %mul3A_317 : i32
      %dma_wait3A_319 = arith.constant 1 : i32
      %dma_wait3A_320 = arith.constant 0 : i32
      %dma_wait3A_321 = arith.constant 0 : i32
      %dma_wait3A_322 = tpu.memref_slice %arg6[%dma_wait3A_319, %dma_wait3A_320, %dma_wait3A_321] : memref<4x400x64xf32, #tpu.memory_space<vmem>> -> memref<1x400x64xf32, #tpu.memory_space<vmem>>
      %dma_wait3A_323 = tpu.memref_squeeze %dma_wait3A_322 : memref<1x400x64xf32, #tpu.memory_space<vmem>> -> memref<400x64xf32, #tpu.memory_space<vmem>>
      %dma_wait3A_324 = tpu.memref_slice %arg5[%mul3A_202] : memref<25600xi32, #tpu.memory_space<vmem>> -> memref<400xi32, #tpu.memory_space<vmem>>
      %dma_wait3A_325 = arith.constant 0 : i32
      %dma_wait3A_326 = arith.constant 0 : i32
      %dma_wait3A_327 = tpu.memref_slice %arg3[%dma_wait3A_325, %dma_wait3A_326] : memref<1000000x64xf32, #tpu.memory_space<hbm>> -> memref<1000000x64xf32, #tpu.memory_space<hbm>>
      tpu.wait_indirect_dma semaphore(%arg8 : memref<!tpu.dma_semaphore, #tpu.memory_space<semaphore_mem>>) src(%dma_wait3A_327 : memref<1000000x64xf32, #tpu.memory_space<hbm>>) dst(%dma_wait3A_323 : memref<400x64xf32, #tpu.memory_space<vmem>>)
      %add3A_328 = arith.constant 0 : i32
      %add3A_329 = arith.addi %add3A_318, %add3A_328 : i32
      %dma_start3A_330 = arith.constant 1 : i32
      %dma_start3A_331 = arith.constant 0 : i32
      %dma_start3A_332 = arith.constant 0 : i32
      %dma_start3A_333 = tpu.memref_slice %arg6[%dma_start3A_330, %dma_start3A_331, %dma_start3A_332] : memref<4x400x64xf32, #tpu.memory_space<vmem>> -> memref<1x200x64xf32, #tpu.memory_space<vmem>>
      %dma_start3A_334 = tpu.memref_squeeze %dma_start3A_333 : memref<1x200x64xf32, #tpu.memory_space<vmem>> -> memref<200x64xf32, #tpu.memory_space<vmem>>
      %dma_start3A_335 = arith.constant 0 : i32
      %dma_start3A_336 = arith.constant 0 : i32
      %dma_start3A_337 = tpu.memref_slice %arg4[%add3A_329, %dma_start3A_335, %dma_start3A_336] : memref<4096x200x64xf32, #tpu.memory_space<hbm>> -> memref<1x200x64xf32, #tpu.memory_space<hbm>>
      %dma_start3A_338 = tpu.memref_squeeze %dma_start3A_337 : memref<1x200x64xf32, #tpu.memory_space<hbm>> -> memref<200x64xf32, #tpu.memory_space<hbm>>
      %dma_start3A_339 = arith.constant 0 : i32
      %dma_start3A_340 = arith.constant 0 : i32
      %dma_start3A_341 = tpu.memref_slice %arg4[%add3A_329, %dma_start3A_339, %dma_start3A_340] : memref<4096x200x64xf32, #tpu.memory_space<hbm>> -> memref<1x200x64xf32, #tpu.memory_space<hbm>>
      %dma_start3A_342 = tpu.memref_squeeze %dma_start3A_341 : memref<1x200x64xf32, #tpu.memory_space<hbm>> -> memref<200x64xf32, #tpu.memory_space<hbm>>
      %dma_start3A_343 = arith.constant 0 : i32
      %dma_start3A_344 = arith.constant 0 : i32
      %dma_start3A_345 = tpu.memref_slice %arg6[%dma_start3A_330, %dma_start3A_343, %dma_start3A_344] : memref<4x400x64xf32, #tpu.memory_space<vmem>> -> memref<1x200x64xf32, #tpu.memory_space<vmem>>
      %dma_start3A_346 = tpu.memref_squeeze %dma_start3A_345 : memref<1x200x64xf32, #tpu.memory_space<vmem>> -> memref<200x64xf32, #tpu.memory_space<vmem>>
      tpu.enqueue_dma source(%dma_start3A_346 : memref<200x64xf32, #tpu.memory_space<vmem>>) target(%dma_start3A_342 : memref<200x64xf32, #tpu.memory_space<hbm>>) target_semaphore(%arg12 : memref<!tpu.dma_semaphore, #tpu.memory_space<semaphore_mem>>)
      %add3A_347 = arith.constant 1 : i32
      %add3A_348 = arith.addi %add3A_318, %add3A_347 : i32
      %dma_start3A_349 = arith.constant 1 : i32
      %dma_start3A_350 = arith.constant 200 : i32
      %dma_start3A_351 = arith.constant 0 : i32
      %dma_start3A_352 = tpu.memref_slice %arg6[%dma_start3A_349, %dma_start3A_350, %dma_start3A_351] : memref<4x400x64xf32, #tpu.memory_space<vmem>> -> memref<1x200x64xf32, #tpu.memory_space<vmem>>
      %dma_start3A_353 = tpu.memref_squeeze %dma_start3A_352 : memref<1x200x64xf32, #tpu.memory_space<vmem>> -> memref<200x64xf32, #tpu.memory_space<vmem>>
      %dma_start3A_354 = arith.constant 0 : i32
      %dma_start3A_355 = arith.constant 0 : i32
      %dma_start3A_356 = tpu.memref_slice %arg4[%add3A_348, %dma_start3A_354, %dma_start3A_355] : memref<4096x200x64xf32, #tpu.memory_space<hbm>> -> memref<1x200x64xf32, #tpu.memory_space<hbm>>
      %dma_start3A_357 = tpu.memref_squeeze %dma_start3A_356 : memref<1x200x64xf32, #tpu.memory_space<hbm>> -> memref<200x64xf32, #tpu.memory_space<hbm>>
      %dma_start3A_358 = arith.constant 0 : i32
      %dma_start3A_359 = arith.constant 0 : i32
      %dma_start3A_360 = tpu.memref_slice %arg4[%add3A_348, %dma_start3A_358, %dma_start3A_359] : memref<4096x200x64xf32, #tpu.memory_space<hbm>> -> memref<1x200x64xf32, #tpu.memory_space<hbm>>
      %dma_start3A_361 = tpu.memref_squeeze %dma_start3A_360 : memref<1x200x64xf32, #tpu.memory_space<hbm>> -> memref<200x64xf32, #tpu.memory_space<hbm>>
      %dma_start3A_362 = arith.constant 200 : i32
      %dma_start3A_363 = arith.constant 0 : i32
      %dma_start3A_364 = tpu.memref_slice %arg6[%dma_start3A_349, %dma_start3A_362, %dma_start3A_363] : memref<4x400x64xf32, #tpu.memory_space<vmem>> -> memref<1x200x64xf32, #tpu.memory_space<vmem>>
      %dma_start3A_365 = tpu.memref_squeeze %dma_start3A_364 : memref<1x200x64xf32, #tpu.memory_space<vmem>> -> memref<200x64xf32, #tpu.memory_space<vmem>>
      tpu.enqueue_dma source(%dma_start3A_365 : memref<200x64xf32, #tpu.memory_space<vmem>>) target(%dma_start3A_361 : memref<200x64xf32, #tpu.memory_space<hbm>>) target_semaphore(%arg12 : memref<!tpu.dma_semaphore, #tpu.memory_space<semaphore_mem>>)
      %mul3A_366 = arith.constant 4 : i32
      %mul3A_367 = arith.muli %scan3A_169, %mul3A_366 : i32
      %add3A_368 = arith.constant 2 : i32
      %add3A_369 = arith.addi %mul3A_367, %add3A_368 : i32
      %mul3A_370 = arith.constant 2 : i32
      %mul3A_371 = arith.muli %add3A_369, %mul3A_370 : i32
      %add3A_372 = arith.addi %mul3A_2, %mul3A_371 : i32
      %dma_wait3A_373 = arith.constant 2 : i32
      %dma_wait3A_374 = arith.constant 0 : i32
      %dma_wait3A_375 = arith.constant 0 : i32
      %dma_wait3A_376 = tpu.memref_slice %arg6[%dma_wait3A_373, %dma_wait3A_374, %dma_wait3A_375] : memref<4x400x64xf32, #tpu.memory_space<vmem>> -> memref<1x400x64xf32, #tpu.memory_space<vmem>>
      %dma_wait3A_377 = tpu.memref_squeeze %dma_wait3A_376 : memref<1x400x64xf32, #tpu.memory_space<vmem>> -> memref<400x64xf32, #tpu.memory_space<vmem>>
      %dma_wait3A_378 = tpu.memref_slice %arg5[%mul3A_225] : memref<25600xi32, #tpu.memory_space<vmem>> -> memref<400xi32, #tpu.memory_space<vmem>>
      %dma_wait3A_379 = arith.constant 0 : i32
      %dma_wait3A_380 = arith.constant 0 : i32
      %dma_wait3A_381 = tpu.memref_slice %arg3[%dma_wait3A_379, %dma_wait3A_380] : memref<1000000x64xf32, #tpu.memory_space<hbm>> -> memref<1000000x64xf32, #tpu.memory_space<hbm>>
      tpu.wait_indirect_dma semaphore(%arg9 : memref<!tpu.dma_semaphore, #tpu.memory_space<semaphore_mem>>) src(%dma_wait3A_381 : memref<1000000x64xf32, #tpu.memory_space<hbm>>) dst(%dma_wait3A_377 : memref<400x64xf32, #tpu.memory_space<vmem>>)
      %add3A_382 = arith.constant 0 : i32
      %add3A_383 = arith.addi %add3A_372, %add3A_382 : i32
      %dma_start3A_384 = arith.constant 2 : i32
      %dma_start3A_385 = arith.constant 0 : i32
      %dma_start3A_386 = arith.constant 0 : i32
      %dma_start3A_387 = tpu.memref_slice %arg6[%dma_start3A_384, %dma_start3A_385, %dma_start3A_386] : memref<4x400x64xf32, #tpu.memory_space<vmem>> -> memref<1x200x64xf32, #tpu.memory_space<vmem>>
      %dma_start3A_388 = tpu.memref_squeeze %dma_start3A_387 : memref<1x200x64xf32, #tpu.memory_space<vmem>> -> memref<200x64xf32, #tpu.memory_space<vmem>>
      %dma_start3A_389 = arith.constant 0 : i32
      %dma_start3A_390 = arith.constant 0 : i32
      %dma_start3A_391 = tpu.memref_slice %arg4[%add3A_383, %dma_start3A_389, %dma_start3A_390] : memref<4096x200x64xf32, #tpu.memory_space<hbm>> -> memref<1x200x64xf32, #tpu.memory_space<hbm>>
      %dma_start3A_392 = tpu.memref_squeeze %dma_start3A_391 : memref<1x200x64xf32, #tpu.memory_space<hbm>> -> memref<200x64xf32, #tpu.memory_space<hbm>>
      %dma_start3A_393 = arith.constant 0 : i32
      %dma_start3A_394 = arith.constant 0 : i32
      %dma_start3A_395 = tpu.memref_slice %arg4[%add3A_383, %dma_start3A_393, %dma_start3A_394] : memref<4096x200x64xf32, #tpu.memory_space<hbm>> -> memref<1x200x64xf32, #tpu.memory_space<hbm>>
      %dma_start3A_396 = tpu.memref_squeeze %dma_start3A_395 : memref<1x200x64xf32, #tpu.memory_space<hbm>> -> memref<200x64xf32, #tpu.memory_space<hbm>>
      %dma_start3A_397 = arith.constant 0 : i32
      %dma_start3A_398 = arith.constant 0 : i32
      %dma_start3A_399 = tpu.memref_slice %arg6[%dma_start3A_384, %dma_start3A_397, %dma_start3A_398] : memref<4x400x64xf32, #tpu.memory_space<vmem>> -> memref<1x200x64xf32, #tpu.memory_space<vmem>>
      %dma_start3A_400 = tpu.memref_squeeze %dma_start3A_399 : memref<1x200x64xf32, #tpu.memory_space<vmem>> -> memref<200x64xf32, #tpu.memory_space<vmem>>
      tpu.enqueue_dma source(%dma_start3A_400 : memref<200x64xf32, #tpu.memory_space<vmem>>) target(%dma_start3A_396 : memref<200x64xf32, #tpu.memory_space<hbm>>) target_semaphore(%arg13 : memref<!tpu.dma_semaphore, #tpu.memory_space<semaphore_mem>>)
      %add3A_401 = arith.constant 1 : i32
      %add3A_402 = arith.addi %add3A_372, %add3A_401 : i32
      %dma_start3A_403 = arith.constant 2 : i32
      %dma_start3A_404 = arith.constant 200 : i32
      %dma_start3A_405 = arith.constant 0 : i32
      %dma_start3A_406 = tpu.memref_slice %arg6[%dma_start3A_403, %dma_start3A_404, %dma_start3A_405] : memref<4x400x64xf32, #tpu.memory_space<vmem>> -> memref<1x200x64xf32, #tpu.memory_space<vmem>>
      %dma_start3A_407 = tpu.memref_squeeze %dma_start3A_406 : memref<1x200x64xf32, #tpu.memory_space<vmem>> -> memref<200x64xf32, #tpu.memory_space<vmem>>
      %dma_start3A_408 = arith.constant 0 : i32
      %dma_start3A_409 = arith.constant 0 : i32
      %dma_start3A_410 = tpu.memref_slice %arg4[%add3A_402, %dma_start3A_408, %dma_start3A_409] : memref<4096x200x64xf32, #tpu.memory_space<hbm>> -> memref<1x200x64xf32, #tpu.memory_space<hbm>>
      %dma_start3A_411 = tpu.memref_squeeze %dma_start3A_410 : memref<1x200x64xf32, #tpu.memory_space<hbm>> -> memref<200x64xf32, #tpu.memory_space<hbm>>
      %dma_start3A_412 = arith.constant 0 : i32
      %dma_start3A_413 = arith.constant 0 : i32
      %dma_start3A_414 = tpu.memref_slice %arg4[%add3A_402, %dma_start3A_412, %dma_start3A_413] : memref<4096x200x64xf32, #tpu.memory_space<hbm>> -> memref<1x200x64xf32, #tpu.memory_space<hbm>>
      %dma_start3A_415 = tpu.memref_squeeze %dma_start3A_414 : memref<1x200x64xf32, #tpu.memory_space<hbm>> -> memref<200x64xf32, #tpu.memory_space<hbm>>
      %dma_start3A_416 = arith.constant 200 : i32
      %dma_start3A_417 = arith.constant 0 : i32
      %dma_start3A_418 = tpu.memref_slice %arg6[%dma_start3A_403, %dma_start3A_416, %dma_start3A_417] : memref<4x400x64xf32, #tpu.memory_space<vmem>> -> memref<1x200x64xf32, #tpu.memory_space<vmem>>
      %dma_start3A_419 = tpu.memref_squeeze %dma_start3A_418 : memref<1x200x64xf32, #tpu.memory_space<vmem>> -> memref<200x64xf32, #tpu.memory_space<vmem>>
      tpu.enqueue_dma source(%dma_start3A_419 : memref<200x64xf32, #tpu.memory_space<vmem>>) target(%dma_start3A_415 : memref<200x64xf32, #tpu.memory_space<hbm>>) target_semaphore(%arg13 : memref<!tpu.dma_semaphore, #tpu.memory_space<semaphore_mem>>)
      %mul3A_420 = arith.constant 4 : i32
      %mul3A_421 = arith.muli %scan3A_169, %mul3A_420 : i32
      %add3A_422 = arith.constant 3 : i32
      %add3A_423 = arith.addi %mul3A_421, %add3A_422 : i32
      %mul3A_424 = arith.constant 2 : i32
      %mul3A_425 = arith.muli %add3A_423, %mul3A_424 : i32
      %add3A_426 = arith.addi %mul3A_2, %mul3A_425 : i32
      %dma_wait3A_427 = arith.constant 3 : i32
      %dma_wait3A_428 = arith.constant 0 : i32
      %dma_wait3A_429 = arith.constant 0 : i32
      %dma_wait3A_430 = tpu.memref_slice %arg6[%dma_wait3A_427, %dma_wait3A_428, %dma_wait3A_429] : memref<4x400x64xf32, #tpu.memory_space<vmem>> -> memref<1x400x64xf32, #tpu.memory_space<vmem>>
      %dma_wait3A_431 = tpu.memref_squeeze %dma_wait3A_430 : memref<1x400x64xf32, #tpu.memory_space<vmem>> -> memref<400x64xf32, #tpu.memory_space<vmem>>
      %dma_wait3A_432 = tpu.memref_slice %arg5[%mul3A_248] : memref<25600xi32, #tpu.memory_space<vmem>> -> memref<400xi32, #tpu.memory_space<vmem>>
      %dma_wait3A_433 = arith.constant 0 : i32
      %dma_wait3A_434 = arith.constant 0 : i32
      %dma_wait3A_435 = tpu.memref_slice %arg3[%dma_wait3A_433, %dma_wait3A_434] : memref<1000000x64xf32, #tpu.memory_space<hbm>> -> memref<1000000x64xf32, #tpu.memory_space<hbm>>
      tpu.wait_indirect_dma semaphore(%arg10 : memref<!tpu.dma_semaphore, #tpu.memory_space<semaphore_mem>>) src(%dma_wait3A_435 : memref<1000000x64xf32, #tpu.memory_space<hbm>>) dst(%dma_wait3A_431 : memref<400x64xf32, #tpu.memory_space<vmem>>)
      %add3A_436 = arith.constant 0 : i32
      %add3A_437 = arith.addi %add3A_426, %add3A_436 : i32
      %dma_start3A_438 = arith.constant 3 : i32
      %dma_start3A_439 = arith.constant 0 : i32
      %dma_start3A_440 = arith.constant 0 : i32
      %dma_start3A_441 = tpu.memref_slice %arg6[%dma_start3A_438, %dma_start3A_439, %dma_start3A_440] : memref<4x400x64xf32, #tpu.memory_space<vmem>> -> memref<1x200x64xf32, #tpu.memory_space<vmem>>
      %dma_start3A_442 = tpu.memref_squeeze %dma_start3A_441 : memref<1x200x64xf32, #tpu.memory_space<vmem>> -> memref<200x64xf32, #tpu.memory_space<vmem>>
      %dma_start3A_443 = arith.constant 0 : i32
      %dma_start3A_444 = arith.constant 0 : i32
      %dma_start3A_445 = tpu.memref_slice %arg4[%add3A_437, %dma_start3A_443, %dma_start3A_444] : memref<4096x200x64xf32, #tpu.memory_space<hbm>> -> memref<1x200x64xf32, #tpu.memory_space<hbm>>
      %dma_start3A_446 = tpu.memref_squeeze %dma_start3A_445 : memref<1x200x64xf32, #tpu.memory_space<hbm>> -> memref<200x64xf32, #tpu.memory_space<hbm>>
      %dma_start3A_447 = arith.constant 0 : i32
      %dma_start3A_448 = arith.constant 0 : i32
      %dma_start3A_449 = tpu.memref_slice %arg4[%add3A_437, %dma_start3A_447, %dma_start3A_448] : memref<4096x200x64xf32, #tpu.memory_space<hbm>> -> memref<1x200x64xf32, #tpu.memory_space<hbm>>
      %dma_start3A_450 = tpu.memref_squeeze %dma_start3A_449 : memref<1x200x64xf32, #tpu.memory_space<hbm>> -> memref<200x64xf32, #tpu.memory_space<hbm>>
      %dma_start3A_451 = arith.constant 0 : i32
      %dma_start3A_452 = arith.constant 0 : i32
      %dma_start3A_453 = tpu.memref_slice %arg6[%dma_start3A_438, %dma_start3A_451, %dma_start3A_452] : memref<4x400x64xf32, #tpu.memory_space<vmem>> -> memref<1x200x64xf32, #tpu.memory_space<vmem>>
      %dma_start3A_454 = tpu.memref_squeeze %dma_start3A_453 : memref<1x200x64xf32, #tpu.memory_space<vmem>> -> memref<200x64xf32, #tpu.memory_space<vmem>>
      tpu.enqueue_dma source(%dma_start3A_454 : memref<200x64xf32, #tpu.memory_space<vmem>>) target(%dma_start3A_450 : memref<200x64xf32, #tpu.memory_space<hbm>>) target_semaphore(%arg14 : memref<!tpu.dma_semaphore, #tpu.memory_space<semaphore_mem>>)
      %add3A_455 = arith.constant 1 : i32
      %add3A_456 = arith.addi %add3A_426, %add3A_455 : i32
      %dma_start3A_457 = arith.constant 3 : i32
      %dma_start3A_458 = arith.constant 200 : i32
      %dma_start3A_459 = arith.constant 0 : i32
      %dma_start3A_460 = tpu.memref_slice %arg6[%dma_start3A_457, %dma_start3A_458, %dma_start3A_459] : memref<4x400x64xf32, #tpu.memory_space<vmem>> -> memref<1x200x64xf32, #tpu.memory_space<vmem>>
      %dma_start3A_461 = tpu.memref_squeeze %dma_start3A_460 : memref<1x200x64xf32, #tpu.memory_space<vmem>> -> memref<200x64xf32, #tpu.memory_space<vmem>>
      %dma_start3A_462 = arith.constant 0 : i32
      %dma_start3A_463 = arith.constant 0 : i32
      %dma_start3A_464 = tpu.memref_slice %arg4[%add3A_456, %dma_start3A_462, %dma_start3A_463] : memref<4096x200x64xf32, #tpu.memory_space<hbm>> -> memref<1x200x64xf32, #tpu.memory_space<hbm>>
      %dma_start3A_465 = tpu.memref_squeeze %dma_start3A_464 : memref<1x200x64xf32, #tpu.memory_space<hbm>> -> memref<200x64xf32, #tpu.memory_space<hbm>>
      %dma_start3A_466 = arith.constant 0 : i32
      %dma_start3A_467 = arith.constant 0 : i32
      %dma_start3A_468 = tpu.memref_slice %arg4[%add3A_456, %dma_start3A_466, %dma_start3A_467] : memref<4096x200x64xf32, #tpu.memory_space<hbm>> -> memref<1x200x64xf32, #tpu.memory_space<hbm>>
      %dma_start3A_469 = tpu.memref_squeeze %dma_start3A_468 : memref<1x200x64xf32, #tpu.memory_space<hbm>> -> memref<200x64xf32, #tpu.memory_space<hbm>>
      %dma_start3A_470 = arith.constant 200 : i32
      %dma_start3A_471 = arith.constant 0 : i32
      %dma_start3A_472 = tpu.memref_slice %arg6[%dma_start3A_457, %dma_start3A_470, %dma_start3A_471] : memref<4x400x64xf32, #tpu.memory_space<vmem>> -> memref<1x200x64xf32, #tpu.memory_space<vmem>>
      %dma_start3A_473 = tpu.memref_squeeze %dma_start3A_472 : memref<1x200x64xf32, #tpu.memory_space<vmem>> -> memref<200x64xf32, #tpu.memory_space<vmem>>
      tpu.enqueue_dma source(%dma_start3A_473 : memref<200x64xf32, #tpu.memory_space<vmem>>) target(%dma_start3A_469 : memref<200x64xf32, #tpu.memory_space<hbm>>) target_semaphore(%arg14 : memref<!tpu.dma_semaphore, #tpu.memory_space<semaphore_mem>>)
    }
    %scan3A_9 = arith.constant 16 : i32
    %add3A_10 = arith.constant 120 : i32
    %add3A_11 = arith.addi %mul3A_2, %add3A_10 : i32
    %add3A_12 = arith.constant 0 : i32
    %add3A_13 = arith.addi %add3A_11, %add3A_12 : i32
    %dma_wait3A = arith.constant 0 : i32
    %dma_wait3A_14 = arith.constant 0 : i32
    %dma_wait3A_15 = arith.constant 0 : i32
    %dma_wait3A_16 = tpu.memref_slice %arg6[%dma_wait3A, %dma_wait3A_14, %dma_wait3A_15] : memref<4x400x64xf32, #tpu.memory_space<vmem>> -> memref<1x200x64xf32, #tpu.memory_space<vmem>>
    %dma_wait3A_17 = tpu.memref_squeeze %dma_wait3A_16 : memref<1x200x64xf32, #tpu.memory_space<vmem>> -> memref<200x64xf32, #tpu.memory_space<vmem>>
    %dma_wait3A_18 = arith.constant 0 : i32
    %dma_wait3A_19 = arith.constant 0 : i32
    %dma_wait3A_20 = tpu.memref_slice %arg4[%add3A_13, %dma_wait3A_18, %dma_wait3A_19] : memref<4096x200x64xf32, #tpu.memory_space<hbm>> -> memref<1x200x64xf32, #tpu.memory_space<hbm>>
    %dma_wait3A_21 = tpu.memref_squeeze %dma_wait3A_20 : memref<1x200x64xf32, #tpu.memory_space<hbm>> -> memref<200x64xf32, #tpu.memory_space<hbm>>
    %dma_wait3A_22 = arith.constant 0 : i32
    %dma_wait3A_23 = arith.constant 0 : i32
    %dma_wait3A_24 = tpu.memref_slice %arg4[%add3A_13, %dma_wait3A_22, %dma_wait3A_23] : memref<4096x200x64xf32, #tpu.memory_space<hbm>> -> memref<1x200x64xf32, #tpu.memory_space<hbm>>
    %dma_wait3A_25 = tpu.memref_squeeze %dma_wait3A_24 : memref<1x200x64xf32, #tpu.memory_space<hbm>> -> memref<200x64xf32, #tpu.memory_space<hbm>>
    %dma_wait3A_26 = arith.constant 0 : i32
    %dma_wait3A_27 = arith.constant 0 : i32
    %dma_wait3A_28 = tpu.memref_slice %arg6[%dma_wait3A, %dma_wait3A_26, %dma_wait3A_27] : memref<4x400x64xf32, #tpu.memory_space<vmem>> -> memref<1x200x64xf32, #tpu.memory_space<vmem>>
    %dma_wait3A_29 = tpu.memref_squeeze %dma_wait3A_28 : memref<1x200x64xf32, #tpu.memory_space<vmem>> -> memref<200x64xf32, #tpu.memory_space<vmem>>
    tpu.wait_dma2 semaphore(%arg11 : memref<!tpu.dma_semaphore, #tpu.memory_space<semaphore_mem>>) src(%dma_wait3A_29 : memref<200x64xf32, #tpu.memory_space<vmem>>) dst(%dma_wait3A_25 : memref<200x64xf32, #tpu.memory_space<hbm>>)
    %add3A_30 = arith.constant 1 : i32
    %add3A_31 = arith.addi %add3A_11, %add3A_30 : i32
    %dma_wait3A_32 = arith.constant 0 : i32
    %dma_wait3A_33 = arith.constant 200 : i32
    %dma_wait3A_34 = arith.constant 0 : i32
    %dma_wait3A_35 = tpu.memref_slice %arg6[%dma_wait3A_32, %dma_wait3A_33, %dma_wait3A_34] : memref<4x400x64xf32, #tpu.memory_space<vmem>> -> memref<1x200x64xf32, #tpu.memory_space<vmem>>
    %dma_wait3A_36 = tpu.memref_squeeze %dma_wait3A_35 : memref<1x200x64xf32, #tpu.memory_space<vmem>> -> memref<200x64xf32, #tpu.memory_space<vmem>>
    %dma_wait3A_37 = arith.constant 0 : i32
    %dma_wait3A_38 = arith.constant 0 : i32
    %dma_wait3A_39 = tpu.memref_slice %arg4[%add3A_31, %dma_wait3A_37, %dma_wait3A_38] : memref<4096x200x64xf32, #tpu.memory_space<hbm>> -> memref<1x200x64xf32, #tpu.memory_space<hbm>>
    %dma_wait3A_40 = tpu.memref_squeeze %dma_wait3A_39 : memref<1x200x64xf32, #tpu.memory_space<hbm>> -> memref<200x64xf32, #tpu.memory_space<hbm>>
    %dma_wait3A_41 = arith.constant 0 : i32
    %dma_wait3A_42 = arith.constant 0 : i32
    %dma_wait3A_43 = tpu.memref_slice %arg4[%add3A_31, %dma_wait3A_41, %dma_wait3A_42] : memref<4096x200x64xf32, #tpu.memory_space<hbm>> -> memref<1x200x64xf32, #tpu.memory_space<hbm>>
    %dma_wait3A_44 = tpu.memref_squeeze %dma_wait3A_43 : memref<1x200x64xf32, #tpu.memory_space<hbm>> -> memref<200x64xf32, #tpu.memory_space<hbm>>
    %dma_wait3A_45 = arith.constant 200 : i32
    %dma_wait3A_46 = arith.constant 0 : i32
    %dma_wait3A_47 = tpu.memref_slice %arg6[%dma_wait3A_32, %dma_wait3A_45, %dma_wait3A_46] : memref<4x400x64xf32, #tpu.memory_space<vmem>> -> memref<1x200x64xf32, #tpu.memory_space<vmem>>
    %dma_wait3A_48 = tpu.memref_squeeze %dma_wait3A_47 : memref<1x200x64xf32, #tpu.memory_space<vmem>> -> memref<200x64xf32, #tpu.memory_space<vmem>>
    tpu.wait_dma2 semaphore(%arg11 : memref<!tpu.dma_semaphore, #tpu.memory_space<semaphore_mem>>) src(%dma_wait3A_48 : memref<200x64xf32, #tpu.memory_space<vmem>>) dst(%dma_wait3A_44 : memref<200x64xf32, #tpu.memory_space<hbm>>)
    %add3A_49 = arith.constant 122 : i32
    %add3A_50 = arith.addi %mul3A_2, %add3A_49 : i32
    %add3A_51 = arith.constant 0 : i32
    %add3A_52 = arith.addi %add3A_50, %add3A_51 : i32
    %dma_wait3A_53 = arith.constant 1 : i32
    %dma_wait3A_54 = arith.constant 0 : i32
    %dma_wait3A_55 = arith.constant 0 : i32
    %dma_wait3A_56 = tpu.memref_slice %arg6[%dma_wait3A_53, %dma_wait3A_54, %dma_wait3A_55] : memref<4x400x64xf32, #tpu.memory_space<vmem>> -> memref<1x200x64xf32, #tpu.memory_space<vmem>>
    %dma_wait3A_57 = tpu.memref_squeeze %dma_wait3A_56 : memref<1x200x64xf32, #tpu.memory_space<vmem>> -> memref<200x64xf32, #tpu.memory_space<vmem>>
    %dma_wait3A_58 = arith.constant 0 : i32
    %dma_wait3A_59 = arith.constant 0 : i32
    %dma_wait3A_60 = tpu.memref_slice %arg4[%add3A_52, %dma_wait3A_58, %dma_wait3A_59] : memref<4096x200x64xf32, #tpu.memory_space<hbm>> -> memref<1x200x64xf32, #tpu.memory_space<hbm>>
    %dma_wait3A_61 = tpu.memref_squeeze %dma_wait3A_60 : memref<1x200x64xf32, #tpu.memory_space<hbm>> -> memref<200x64xf32, #tpu.memory_space<hbm>>
    %dma_wait3A_62 = arith.constant 0 : i32
    %dma_wait3A_63 = arith.constant 0 : i32
    %dma_wait3A_64 = tpu.memref_slice %arg4[%add3A_52, %dma_wait3A_62, %dma_wait3A_63] : memref<4096x200x64xf32, #tpu.memory_space<hbm>> -> memref<1x200x64xf32, #tpu.memory_space<hbm>>
    %dma_wait3A_65 = tpu.memref_squeeze %dma_wait3A_64 : memref<1x200x64xf32, #tpu.memory_space<hbm>> -> memref<200x64xf32, #tpu.memory_space<hbm>>
    %dma_wait3A_66 = arith.constant 0 : i32
    %dma_wait3A_67 = arith.constant 0 : i32
    %dma_wait3A_68 = tpu.memref_slice %arg6[%dma_wait3A_53, %dma_wait3A_66, %dma_wait3A_67] : memref<4x400x64xf32, #tpu.memory_space<vmem>> -> memref<1x200x64xf32, #tpu.memory_space<vmem>>
    %dma_wait3A_69 = tpu.memref_squeeze %dma_wait3A_68 : memref<1x200x64xf32, #tpu.memory_space<vmem>> -> memref<200x64xf32, #tpu.memory_space<vmem>>
    tpu.wait_dma2 semaphore(%arg12 : memref<!tpu.dma_semaphore, #tpu.memory_space<semaphore_mem>>) src(%dma_wait3A_69 : memref<200x64xf32, #tpu.memory_space<vmem>>) dst(%dma_wait3A_65 : memref<200x64xf32, #tpu.memory_space<hbm>>)
    %add3A_70 = arith.constant 1 : i32
    %add3A_71 = arith.addi %add3A_50, %add3A_70 : i32
    %dma_wait3A_72 = arith.constant 1 : i32
    %dma_wait3A_73 = arith.constant 200 : i32
    %dma_wait3A_74 = arith.constant 0 : i32
    %dma_wait3A_75 = tpu.memref_slice %arg6[%dma_wait3A_72, %dma_wait3A_73, %dma_wait3A_74] : memref<4x400x64xf32, #tpu.memory_space<vmem>> -> memref<1x200x64xf32, #tpu.memory_space<vmem>>
    %dma_wait3A_76 = tpu.memref_squeeze %dma_wait3A_75 : memref<1x200x64xf32, #tpu.memory_space<vmem>> -> memref<200x64xf32, #tpu.memory_space<vmem>>
    %dma_wait3A_77 = arith.constant 0 : i32
    %dma_wait3A_78 = arith.constant 0 : i32
    %dma_wait3A_79 = tpu.memref_slice %arg4[%add3A_71, %dma_wait3A_77, %dma_wait3A_78] : memref<4096x200x64xf32, #tpu.memory_space<hbm>> -> memref<1x200x64xf32, #tpu.memory_space<hbm>>
    %dma_wait3A_80 = tpu.memref_squeeze %dma_wait3A_79 : memref<1x200x64xf32, #tpu.memory_space<hbm>> -> memref<200x64xf32, #tpu.memory_space<hbm>>
    %dma_wait3A_81 = arith.constant 0 : i32
    %dma_wait3A_82 = arith.constant 0 : i32
    %dma_wait3A_83 = tpu.memref_slice %arg4[%add3A_71, %dma_wait3A_81, %dma_wait3A_82] : memref<4096x200x64xf32, #tpu.memory_space<hbm>> -> memref<1x200x64xf32, #tpu.memory_space<hbm>>
    %dma_wait3A_84 = tpu.memref_squeeze %dma_wait3A_83 : memref<1x200x64xf32, #tpu.memory_space<hbm>> -> memref<200x64xf32, #tpu.memory_space<hbm>>
    %dma_wait3A_85 = arith.constant 200 : i32
    %dma_wait3A_86 = arith.constant 0 : i32
    %dma_wait3A_87 = tpu.memref_slice %arg6[%dma_wait3A_72, %dma_wait3A_85, %dma_wait3A_86] : memref<4x400x64xf32, #tpu.memory_space<vmem>> -> memref<1x200x64xf32, #tpu.memory_space<vmem>>
    %dma_wait3A_88 = tpu.memref_squeeze %dma_wait3A_87 : memref<1x200x64xf32, #tpu.memory_space<vmem>> -> memref<200x64xf32, #tpu.memory_space<vmem>>
    tpu.wait_dma2 semaphore(%arg12 : memref<!tpu.dma_semaphore, #tpu.memory_space<semaphore_mem>>) src(%dma_wait3A_88 : memref<200x64xf32, #tpu.memory_space<vmem>>) dst(%dma_wait3A_84 : memref<200x64xf32, #tpu.memory_space<hbm>>)
    %add3A_89 = arith.constant 124 : i32
    %add3A_90 = arith.addi %mul3A_2, %add3A_89 : i32
    %add3A_91 = arith.constant 0 : i32
    %add3A_92 = arith.addi %add3A_90, %add3A_91 : i32
    %dma_wait3A_93 = arith.constant 2 : i32
    %dma_wait3A_94 = arith.constant 0 : i32
    %dma_wait3A_95 = arith.constant 0 : i32
    %dma_wait3A_96 = tpu.memref_slice %arg6[%dma_wait3A_93, %dma_wait3A_94, %dma_wait3A_95] : memref<4x400x64xf32, #tpu.memory_space<vmem>> -> memref<1x200x64xf32, #tpu.memory_space<vmem>>
    %dma_wait3A_97 = tpu.memref_squeeze %dma_wait3A_96 : memref<1x200x64xf32, #tpu.memory_space<vmem>> -> memref<200x64xf32, #tpu.memory_space<vmem>>
    %dma_wait3A_98 = arith.constant 0 : i32
    %dma_wait3A_99 = arith.constant 0 : i32
    %dma_wait3A_100 = tpu.memref_slice %arg4[%add3A_92, %dma_wait3A_98, %dma_wait3A_99] : memref<4096x200x64xf32, #tpu.memory_space<hbm>> -> memref<1x200x64xf32, #tpu.memory_space<hbm>>
    %dma_wait3A_101 = tpu.memref_squeeze %dma_wait3A_100 : memref<1x200x64xf32, #tpu.memory_space<hbm>> -> memref<200x64xf32, #tpu.memory_space<hbm>>
    %dma_wait3A_102 = arith.constant 0 : i32
    %dma_wait3A_103 = arith.constant 0 : i32
    %dma_wait3A_104 = tpu.memref_slice %arg4[%add3A_92, %dma_wait3A_102, %dma_wait3A_103] : memref<4096x200x64xf32, #tpu.memory_space<hbm>> -> memref<1x200x64xf32, #tpu.memory_space<hbm>>
    %dma_wait3A_105 = tpu.memref_squeeze %dma_wait3A_104 : memref<1x200x64xf32, #tpu.memory_space<hbm>> -> memref<200x64xf32, #tpu.memory_space<hbm>>
    %dma_wait3A_106 = arith.constant 0 : i32
    %dma_wait3A_107 = arith.constant 0 : i32
    %dma_wait3A_108 = tpu.memref_slice %arg6[%dma_wait3A_93, %dma_wait3A_106, %dma_wait3A_107] : memref<4x400x64xf32, #tpu.memory_space<vmem>> -> memref<1x200x64xf32, #tpu.memory_space<vmem>>
    %dma_wait3A_109 = tpu.memref_squeeze %dma_wait3A_108 : memref<1x200x64xf32, #tpu.memory_space<vmem>> -> memref<200x64xf32, #tpu.memory_space<vmem>>
    tpu.wait_dma2 semaphore(%arg13 : memref<!tpu.dma_semaphore, #tpu.memory_space<semaphore_mem>>) src(%dma_wait3A_109 : memref<200x64xf32, #tpu.memory_space<vmem>>) dst(%dma_wait3A_105 : memref<200x64xf32, #tpu.memory_space<hbm>>)
    %add3A_110 = arith.constant 1 : i32
    %add3A_111 = arith.addi %add3A_90, %add3A_110 : i32
    %dma_wait3A_112 = arith.constant 2 : i32
    %dma_wait3A_113 = arith.constant 200 : i32
    %dma_wait3A_114 = arith.constant 0 : i32
    %dma_wait3A_115 = tpu.memref_slice %arg6[%dma_wait3A_112, %dma_wait3A_113, %dma_wait3A_114] : memref<4x400x64xf32, #tpu.memory_space<vmem>> -> memref<1x200x64xf32, #tpu.memory_space<vmem>>
    %dma_wait3A_116 = tpu.memref_squeeze %dma_wait3A_115 : memref<1x200x64xf32, #tpu.memory_space<vmem>> -> memref<200x64xf32, #tpu.memory_space<vmem>>
    %dma_wait3A_117 = arith.constant 0 : i32
    %dma_wait3A_118 = arith.constant 0 : i32
    %dma_wait3A_119 = tpu.memref_slice %arg4[%add3A_111, %dma_wait3A_117, %dma_wait3A_118] : memref<4096x200x64xf32, #tpu.memory_space<hbm>> -> memref<1x200x64xf32, #tpu.memory_space<hbm>>
    %dma_wait3A_120 = tpu.memref_squeeze %dma_wait3A_119 : memref<1x200x64xf32, #tpu.memory_space<hbm>> -> memref<200x64xf32, #tpu.memory_space<hbm>>
    %dma_wait3A_121 = arith.constant 0 : i32
    %dma_wait3A_122 = arith.constant 0 : i32
    %dma_wait3A_123 = tpu.memref_slice %arg4[%add3A_111, %dma_wait3A_121, %dma_wait3A_122] : memref<4096x200x64xf32, #tpu.memory_space<hbm>> -> memref<1x200x64xf32, #tpu.memory_space<hbm>>
    %dma_wait3A_124 = tpu.memref_squeeze %dma_wait3A_123 : memref<1x200x64xf32, #tpu.memory_space<hbm>> -> memref<200x64xf32, #tpu.memory_space<hbm>>
    %dma_wait3A_125 = arith.constant 200 : i32
    %dma_wait3A_126 = arith.constant 0 : i32
    %dma_wait3A_127 = tpu.memref_slice %arg6[%dma_wait3A_112, %dma_wait3A_125, %dma_wait3A_126] : memref<4x400x64xf32, #tpu.memory_space<vmem>> -> memref<1x200x64xf32, #tpu.memory_space<vmem>>
    %dma_wait3A_128 = tpu.memref_squeeze %dma_wait3A_127 : memref<1x200x64xf32, #tpu.memory_space<vmem>> -> memref<200x64xf32, #tpu.memory_space<vmem>>
    tpu.wait_dma2 semaphore(%arg13 : memref<!tpu.dma_semaphore, #tpu.memory_space<semaphore_mem>>) src(%dma_wait3A_128 : memref<200x64xf32, #tpu.memory_space<vmem>>) dst(%dma_wait3A_124 : memref<200x64xf32, #tpu.memory_space<hbm>>)
    %add3A_129 = arith.constant 126 : i32
    %add3A_130 = arith.addi %mul3A_2, %add3A_129 : i32
    %add3A_131 = arith.constant 0 : i32
    %add3A_132 = arith.addi %add3A_130, %add3A_131 : i32
    %dma_wait3A_133 = arith.constant 3 : i32
    %dma_wait3A_134 = arith.constant 0 : i32
    %dma_wait3A_135 = arith.constant 0 : i32
    %dma_wait3A_136 = tpu.memref_slice %arg6[%dma_wait3A_133, %dma_wait3A_134, %dma_wait3A_135] : memref<4x400x64xf32, #tpu.memory_space<vmem>> -> memref<1x200x64xf32, #tpu.memory_space<vmem>>
    %dma_wait3A_137 = tpu.memref_squeeze %dma_wait3A_136 : memref<1x200x64xf32, #tpu.memory_space<vmem>> -> memref<200x64xf32, #tpu.memory_space<vmem>>
    %dma_wait3A_138 = arith.constant 0 : i32
    %dma_wait3A_139 = arith.constant 0 : i32
    %dma_wait3A_140 = tpu.memref_slice %arg4[%add3A_132, %dma_wait3A_138, %dma_wait3A_139] : memref<4096x200x64xf32, #tpu.memory_space<hbm>> -> memref<1x200x64xf32, #tpu.memory_space<hbm>>
    %dma_wait3A_141 = tpu.memref_squeeze %dma_wait3A_140 : memref<1x200x64xf32, #tpu.memory_space<hbm>> -> memref<200x64xf32, #tpu.memory_space<hbm>>
    %dma_wait3A_142 = arith.constant 0 : i32
    %dma_wait3A_143 = arith.constant 0 : i32
    %dma_wait3A_144 = tpu.memref_slice %arg4[%add3A_132, %dma_wait3A_142, %dma_wait3A_143] : memref<4096x200x64xf32, #tpu.memory_space<hbm>> -> memref<1x200x64xf32, #tpu.memory_space<hbm>>
    %dma_wait3A_145 = tpu.memref_squeeze %dma_wait3A_144 : memref<1x200x64xf32, #tpu.memory_space<hbm>> -> memref<200x64xf32, #tpu.memory_space<hbm>>
    %dma_wait3A_146 = arith.constant 0 : i32
    %dma_wait3A_147 = arith.constant 0 : i32
    %dma_wait3A_148 = tpu.memref_slice %arg6[%dma_wait3A_133, %dma_wait3A_146, %dma_wait3A_147] : memref<4x400x64xf32, #tpu.memory_space<vmem>> -> memref<1x200x64xf32, #tpu.memory_space<vmem>>
    %dma_wait3A_149 = tpu.memref_squeeze %dma_wait3A_148 : memref<1x200x64xf32, #tpu.memory_space<vmem>> -> memref<200x64xf32, #tpu.memory_space<vmem>>
    tpu.wait_dma2 semaphore(%arg14 : memref<!tpu.dma_semaphore, #tpu.memory_space<semaphore_mem>>) src(%dma_wait3A_149 : memref<200x64xf32, #tpu.memory_space<vmem>>) dst(%dma_wait3A_145 : memref<200x64xf32, #tpu.memory_space<hbm>>)
    %add3A_150 = arith.constant 1 : i32
    %add3A_151 = arith.addi %add3A_130, %add3A_150 : i32
    %dma_wait3A_152 = arith.constant 3 : i32
    %dma_wait3A_153 = arith.constant 200 : i32
    %dma_wait3A_154 = arith.constant 0 : i32
    %dma_wait3A_155 = tpu.memref_slice %arg6[%dma_wait3A_152, %dma_wait3A_153, %dma_wait3A_154] : memref<4x400x64xf32, #tpu.memory_space<vmem>> -> memref<1x200x64xf32, #tpu.memory_space<vmem>>
    %dma_wait3A_156 = tpu.memref_squeeze %dma_wait3A_155 : memref<1x200x64xf32, #tpu.memory_space<vmem>> -> memref<200x64xf32, #tpu.memory_space<vmem>>
    %dma_wait3A_157 = arith.constant 0 : i32
    %dma_wait3A_158 = arith.constant 0 : i32
    %dma_wait3A_159 = tpu.memref_slice %arg4[%add3A_151, %dma_wait3A_157, %dma_wait3A_158] : memref<4096x200x64xf32, #tpu.memory_space<hbm>> -> memref<1x200x64xf32, #tpu.memory_space<hbm>>
    %dma_wait3A_160 = tpu.memref_squeeze %dma_wait3A_159 : memref<1x200x64xf32, #tpu.memory_space<hbm>> -> memref<200x64xf32, #tpu.memory_space<hbm>>
    %dma_wait3A_161 = arith.constant 0 : i32
    %dma_wait3A_162 = arith.constant 0 : i32
    %dma_wait3A_163 = tpu.memref_slice %arg4[%add3A_151, %dma_wait3A_161, %dma_wait3A_162] : memref<4096x200x64xf32, #tpu.memory_space<hbm>> -> memref<1x200x64xf32, #tpu.memory_space<hbm>>
    %dma_wait3A_164 = tpu.memref_squeeze %dma_wait3A_163 : memref<1x200x64xf32, #tpu.memory_space<hbm>> -> memref<200x64xf32, #tpu.memory_space<hbm>>
    %dma_wait3A_165 = arith.constant 200 : i32
    %dma_wait3A_166 = arith.constant 0 : i32
    %dma_wait3A_167 = tpu.memref_slice %arg6[%dma_wait3A_152, %dma_wait3A_165, %dma_wait3A_166] : memref<4x400x64xf32, #tpu.memory_space<vmem>> -> memref<1x200x64xf32, #tpu.memory_space<vmem>>
    %dma_wait3A_168 = tpu.memref_squeeze %dma_wait3A_167 : memref<1x200x64xf32, #tpu.memory_space<vmem>> -> memref<200x64xf32, #tpu.memory_space<vmem>>
    tpu.wait_dma2 semaphore(%arg14 : memref<!tpu.dma_semaphore, #tpu.memory_space<semaphore_mem>>) src(%dma_wait3A_168 : memref<200x64xf32, #tpu.memory_space<vmem>>) dst(%dma_wait3A_164 : memref<200x64xf32, #tpu.memory_space<hbm>>)
    return
  }
}

</mosaic_0001>

<sc_bundles>
// kernel: kernel.3.cloned.1.call-start
scs
__scs_entry_jumppad:
0x0: {  	(pc) =	sbr.rel $0x88, $3  }
0x1: {  	(tag) =	ssettag $0x0;
	lr =	simm.s32 $0x1  }
0x2: {  	[smem:$0x3F9F] =	sst lr;
	_ =	strace $0xD0000000  }
0x3: {  	_ = 	snop  }
0x4: {  	_ = 	snop  }
0x5: {  	_ = 	snop  }
0x6: {  	_ = 	snop  }
0x7: {  	_ = 	snop  }
__scs_overlays_trampoline_lowered:
0x8: {  	[smem:$0x3FAE] =	sst s0  }
0x9: {  	[smem:$0x3FAF] =	sst s1  }
0xa: {  	[smem:$0x3FB0] =	sst s2  }
0xb: {  	[smem:$0x3FB1] =	sst s3  }
0xc: {  	[smem:$0x3FB2] =	sst s4  }
0xd: {  	[smem:$0x3FB3] =	sst s5  }
0xe: {  	[smem:$0x3FB4] =	sst s6  }
0xf: {  	[smem:$0x3FB5] =	sst s7  }
0x10: {  	[smem:$0x3FB6] =	sst s8  }
0x11: {  	[smem:$0x3FB7] =	sst s9;
	s0 =	simm.s32 @!p0 $0x0  }
0x12: {  	s1 =	sld [smem:$0x3F9D];
	s0 =	simm.s32 @p0 $0x1  }
0x13: {  	[smem:$0x3FB8] =	sst s0;
	s0 =	simm.s32 @!p1 $0x0  }
0x14: {  	s2 =	sld [smem:$0x3F9C];
	s0 =	simm.s32 @p1 $0x1  }
0x15: {  	[smem:$0x3FB9] =	sst s0;
	s0 =	simm.s32 @!p2 $0x0  }
0x16: {  	s3 =	sld [smem:$0x3FDB];
	s0 =	simm.s32 @p2 $0x1  }
0x17: {  	s4 =	simm.s32 $0x1BF5;
	[smem:$0x3FBB] =	sst s0  }
0x18: {  	s0 =	sld [smem:$0x3F9E];
	_ =	swait.ge [sflag:s4], $0x0  }
0x19: {  	s7 =	sld [smem:$0x3F9F]  }
0x1a: {  	s8 =	sadd.s32 $0xFFFFE003, lr  }
0x1b: {  	s9 =	sadd.s32 $0xFFFFFEF7, lr;
	s5 =	simm.s32 $0xFFFFFFFF;
	p2 =	slt.u32 s8, $0xFFFFF086  }
0x1c: {  	p1 =	slt.u32 s9, $0xF7A;
	s5 =	simm.s32 @!p2 $0x0  }
0x1d: {  	s5 =	simm.s32 @p1 $0x1;
	p0 =	seq.s32 s7, s2  }
0x1e: {  	s7 =	smul.u32 @!p0 $0xF7A, s2;
	p2 =	seq.s32 @!p0 s5, $0x0  }
0x1f: {  	s9 =	smul.u32 $0xF7A, s1;
	s8 =	simm.s32 @!p0 $0x1BF5;
	p2 =	por !p2, p0  }
0x20: {  	[sflag:s8] =	ssyncset.s32 @!p0 $0xFFFFF086;
	s6 =	sadd.s32 @!p0 s3, s7;
	s7 =	simm.s32 @!p0 $0x108  }
0x21: {  	s3 =	sadd.s32 s3, s9;
	s6 =	sadd.s32 @!p0 $0x88, s6;
	s7 =	simm.s32 @p2 $0x1082  }
0x22: {  	[simem:s7], [sflag:s8] =	dma.local @!p0 [hbm:s6], $0xF7A  }
0x23: {  	s9 =	sor.u32 $0xD0000000, s2;
	s6 =	simm.s32 $0x108;
	_ =	swait.ge @!p0 [sflag:s8], $0x0  }
0x24: {  	s3 =	sadd.s32 $0x88, s3;
	s6 =	simm.s32 @!p1 $0x1082;
	[sflag:s4] =	ssyncset.s32 $0xFFFFF086  }
0x25: {  	[simem:s6], [sflag:s4] =	dma.local [hbm:s3], $0xF7A  }
0x26: {  	[smem:$0x3F9F] =	sst s1;
	(tag) =	ssettag s2;
	_ =	strace s9  }
0x27: {  	s1 =	sld [smem:$0x3FAF]  }
0x28: {  	s2 =	sld [smem:$0x3FB0]  }
0x29: {  	s4 =	sld [smem:$0x3FB2]  }
0x2a: {  	p0 =	seq.s32 s5, $0x0;
	s5 =	sld [smem:$0x3FB3]  }
0x2b: {  	s6 =	sld [smem:$0x3FB4]  }
0x2c: {  	s7 =	sld [smem:$0x3FB5]  }
0x2d: {  	s3 =	simm.s32 $0x108;
	s8 =	sld [smem:$0x3FB6]  }
0x2e: {  	s3 =	simm.s32 @!p0 $0x1082;
	s9 =	sld [smem:$0x3FB7]  }
0x2f: {  	lr =	sadd.s32 s0, s3;
	s0 =	sld [smem:$0x3FAE]  }
0x30: {  	s3 =	sld [smem:$0x3FB1]  }
0x31: {  	[smem:$0x3FBA] =	sst s10  }
0x32: {  	s10 =	sld [smem:$0x3FB8];
	_ =	sdelay $0x3  }
0x33: {  	p0 =	seq.s32 s10, $0x1;
	s10 =	sld [smem:$0x3FBA];
	_ =	sdelay $0x3  }
0x34: {  	[smem:$0x3FBA] =	sst s10  }
0x35: {  	s10 =	sld [smem:$0x3FB9];
	_ =	sdelay $0x3  }
0x36: {  	p1 =	seq.s32 s10, $0x1;
	s10 =	sld [smem:$0x3FBA];
	_ =	sdelay $0x3  }
0x37: {  	[smem:$0x3FBA] =	sst s10  }
0x38: {  	s10 =	sld [smem:$0x3FBB]  }
0x39: {  	_ = 	snop;
	(pc) =	sbr.ind lr, $3  }
0x3a: {  	_ = 	snop  }
0x3b: {  	_ = 	snop  }
0x3c: {  	p2 =	seq.s32 s10, $0x1;
	s10 =	sld [smem:$0x3FBA]  }
0x3d: {  	_ =	shalt  }
0x3e: {  	_ =	shalt  }
0x3f: {  	_ =	shalt  }
0x40: {  	_ =	shalt  }
0x41: {  	_ =	shalt  }
0x42: {  	_ =	shalt  }
0x43: {  	_ =	shalt  }
0x44: {  	_ =	shalt  }
0x45: {  	_ =	shalt  }
0x46: {  	_ =	shalt  }
0x47: {  	_ =	shalt  }
0x48: {  	_ =	shalt  }
0x49: {  	_ =	shalt  }
0x4a: {  	_ =	shalt  }
0x4b: {  	_ =	shalt  }
0x4c: {  	_ =	shalt  }
0x4d: {  	_ =	shalt  }
0x4e: {  	_ =	shalt  }
0x4f: {  	_ =	shalt  }
0x50: {  	_ =	shalt  }
0x51: {  	_ =	shalt  }
0x52: {  	_ =	shalt  }
0x53: {  	_ =	shalt  }
0x54: {  	_ =	shalt  }
0x55: {  	_ =	shalt  }
0x56: {  	_ =	shalt  }
0x57: {  	_ =	shalt  }
0x58: {  	_ =	shalt  }
0x59: {  	_ =	shalt  }
0x5a: {  	_ =	shalt  }
0x5b: {  	_ =	shalt  }
0x5c: {  	_ =	shalt  }
0x5d: {  	_ =	shalt  }
0x5e: {  	_ =	shalt  }
0x5f: {  	_ =	shalt  }
0x60: {  	_ =	shalt  }
0x61: {  	_ =	shalt  }
0x62: {  	_ =	shalt  }
0x63: {  	_ =	shalt  }
0x64: {  	_ =	shalt  }
0x65: {  	_ =	shalt  }
0x66: {  	_ =	shalt  }
0x67: {  	_ =	shalt  }
0x68: {  	_ =	shalt  }
0x69: {  	_ =	shalt  }
0x6a: {  	_ =	shalt  }
0x6b: {  	_ =	shalt  }
0x6c: {  	_ =	shalt  }
0x6d: {  	_ =	shalt  }
0x6e: {  	_ =	shalt  }
0x6f: {  	_ =	shalt  }
0x70: {  	_ =	shalt  }
0x71: {  	_ =	shalt  }
0x72: {  	_ =	shalt  }
0x73: {  	_ =	shalt  }
0x74: {  	_ =	shalt  }
0x75: {  	_ =	shalt  }
0x76: {  	_ =	shalt  }
0x77: {  	_ =	shalt  }
0x78: {  	_ =	shalt  }
0x79: {  	_ =	shalt  }
0x7a: {  	_ =	shalt  }
0x7b: {  	_ =	shalt  }
0x7c: {  	_ =	shalt  }
0x7d: {  	_ =	shalt  }
0x7e: {  	_ =	shalt  }
0x7f: {  	_ =	shalt  }
0x80: {  	_ =	shalt  }
0x81: {  	_ =	shalt  }
0x82: {  	_ =	shalt  }
0x83: {  	_ =	shalt  }
0x84: {  	_ =	shalt  }
0x85: {  	_ =	shalt  }
0x86: {  	_ =	shalt  }
0x87: {  	_ =	shalt  }
.Lfunc_end0:
.L_simem_size_0:
called_computation.1_lowered:
.L_overlay_start_0:
0x88: {  	s2 =	sld [smem:$0x3FD9]  }
0x89: {  	s3 =	sld [smem:$0x3FFE];
	_ =	sdelay $0x1  }
0x8a: {  	s1 =	srdreg.scid  }
0x8b: {  	s0 =	sand.u32 $0x1, s1  }
0x8c: {  	s17 =	sshll.u32 s0, $0xA;
	s2 =	sadd.s32 s3, s2  }
0x8d: {  	s2 =	sadd.s32 s2, s17  }
0x8e: {  	[smem:$0x3FC6] =	sst s2  }
0x8f: {  	_ = 	snop  }
0x90: {  	s2 =	sld [smem:$0x3FD0];
	(tm) =	ssettm $0x1  }
0x91: {  	s18 =	sld [smem:$0x3FFB];
	_ =	sdelay $0x3  }
0x92: {  	_ =	strace s18  }
0x93: {  	s3 =	sld [smem:$0x3FFC];
	_ =	sdelay $0x3  }
0x94: {  	_ =	strace s3  }
0x95: {  	s3 =	sld [smem:$0x3FFD];
	_ =	sdelay $0x3  }
0x96: {  	_ =	strace s3  }
0x97: {  	_ =	strace $0x8FFFFFFF  }
0x98: {  	s19 =	sld [smem:$0x3FDB];
	_ =	sdelay $0x1  }
0x99: {  	s4 =	simm.s32 $_scs_section_size  }
0x9a: {  	s5 =	simm.s32 $_size__tile_overlayer_lowered;
	s6 =	simm.s32 $_tile_overlayer_lowered  }
0x9b: {  	s22 =	simm.s32 $0x1BFF;
	s21 =	sshll.u32 s6, $0x1;
	s3 =	sadd.s32 s4, s19  }
0x9c: {  	s7 =	simm.s32 $0x0;
	s20 =	sshll.u32 s5, $0x1;
	s5 =	sadd.s32 s21, s3  }
0x9d: {  	[timem:s7], [sflag:s22] =	dma.local [hbm:s5], s20  }
0x9e: {  	_ =	swait.ge [sflag:s22], s20  }
0x9f: {  	s4 =	ssub.s32 $0x0, s20;
	[sflag:s22] =	ssyncset.done $0x0  }
0xa0: {  	[sflag:s22] =	ssyncadd.s32 s4;
	_ =	sdelay $0x1  }
0xa1: {  	s23 =	simm.s32 $0x1B8B  }
0xa2: {  	_ =	swait.ge [sflag:s23], $0x1  }
0xa3: {  	[sflag:s23] =	ssyncset.done $0x0  }
0xa4: {  	s25 =	simm.s32 $0x1B8E;
	s24 =	sld [smem:$0x3FFE];
	[sflag:s23] =	ssyncadd.s32 $0xFFFFFFFF  }
0xa5: {  	s26 =	simm.s32 $execute0_lowered;
	[smem:$0x3FD2] =	sst s25  }
0xa6: {  	s5 =	sshll.u32 s26, $0x1;
	_ =	strace $0x80000046;
	[dreg:$0x1] =	wrdreg $0xFFFFFFFF  }
0xa7: {  	s28 =	simm.s32 $_size_execute0_lowered;
	s3 =	sadd.s32 s3, s5;
	[dreg:$0x0] =	wrdreg $0x0  }
0xa8: {  	s5 =	sshll.u32 s28, $0x1;
	[dreg:$0x2] =	wrdreg s3  }
0xa9: {  	[dreg:$0x3] =	wrdreg s5  }
0xaa: {  	[dreg:$0x4] =	wrdreg $0xC0  }
0xab: {  	_ =	task [dreg:s7], $0x5FFFF  }
0xac: {  	[dreg:$0x1] =	wrdreg $0xFFFFFFFF  }
0xad: {  	[dreg:$0x0] =	wrdreg $0x60  }
0xae: {  	[dreg:$0x2] =	wrdreg s24  }
0xaf: {  	[dreg:$0x3] =	wrdreg s2  }
0xb0: {  	[dreg:$0x4] =	wrdreg $0x9  }
0xb1: {  	_ =	task.clear_ibuf [dreg:s7], $0x5FFFF;
	_ =	strace $0x90000046  }
0xb2: {  	s29 =	simm.s32 $0x9;
	_ =	strace $0x80000048  }
0xb3: {  	_ =	swait.ge [sflag:s29], $0x1  }
0xb4: {  	[sflag:s29] =	ssyncadd.s32 $0xFFFFFFFF  }
0xb5: {  	_ =	strace $0x90000048  }
0xb6: {  	_ =	sfence  }
0xb7: {  	s30 =	sld [smem:$0x0];
	_ =	sdelay $0x2  }
0xb8: {  	s31 =	sshll.u32 s1, $0xD;
	s1 =	sshrl.u32 s1, $0x2  }
0xb9: {  	s3 =	sand.u32 $0x4000, s31;
	s1 =	sadd.s32 s1, s30  }
0xba: {  	s0 =	sor.u32 s3, s0;
	s1 =	sshll.u32 s1, $0x11  }
0xbb: {  	s0 =	sor.u32 s1, s0  }
0xbc: {  	s0 =	sadd.s32 $0x8F2B, s0  }
0xbd: {  	[sflag:s0] =	ssyncadd.remote.s32 $0x1  }
0xbe: {  	_ =	sfence.sel $0xFFFF  }
0xbf: {  	[dreg:$0x0] =	wrdreg $0xFFFFFFFF;
	(pc) =	sbr.abs _section_cstart, $3  }
0xc0: {  	[dreg:$0x1] =	wrdreg $0xFFFFFFFF  }
0xc1: {  	_ =	task.clear_ibuf [dreg:s7], $0x2FFFF;
	_ =	strace $0x9FFFFFFF  }
0xc2: {  	(tm) =	ssettm $0x7FFFFFFF  }
0xc3: {  	_ =	shalt  }
tec
execute0_lowered:
.L_overlay_start_1:
0x0: {  	(tag) =	ssettag $0x1  }
0x1: {  	s4 =	rddreg [dreg:$0x0];
	s1 =	srdreg.scid  }
0x2: {  	s0 =	stileid.u32;
	s2 =	rddreg [dreg:$0x1];
	s3 =	simm.s32 $0x0  }
0x3: {  	s30 =	simm.s32 $0x9600;
	s13 =	simm.s32 $0xC800;
	s14 =	simm.s32 $0xFA00  }
0x4: {  	s15 =	simm.s32 $0x12C00;
	s31 =	simm.s32 $0x15E00;
	s16 =	simm.s32 $0x1C200  }
0x5: {  	s17 =	simm.s32 $0x6;
	s18 =	simm.s32 $0x7;
	s19 =	simm.s32 $0x8  }
0x6: {  	s7 =	sand.u32 $0x1, s1;
	s5 =	sshll.u32 s0, $0x1;
	[smem:$0x7FF] =	sst s3  }
0x7: {  	s11 =	smul.u32 $0x320000, s0;
	_ =	strace $0x80000047;
	[dreg:$0x8] =	wrdreg s30  }
0x8: {  	s23 =	smul.u32 $0x64000, s0;
	s26 =	sshll.u32 s0, $0x8;
	[dreg:$0x9] =	wrdreg s13  }
0x9: {  	s5 =	sor.u32 s7, s5;
	s12 =	smul.u32 $0x190000, s7;
	[dreg:$0xa] =	wrdreg s14  }
0xa: {  	s8 =	ssub.s32 $0x2, s7;
	s25 =	smul.u32 $0x32000, s7;
	[dreg:$0xb] =	wrdreg s15  }
0xb: {  	s7 =	sshll.u32 s7, $0x7;
	s13 =	simm.s32 $0x2;
	[dreg:$0xc] =	wrdreg s31  }
0xc: {  	s14 =	simm.s32 $0x3;
	s15 =	simm.s32 $0x4;
	[dreg:$0xd] =	wrdreg s16  }
0xd: {  	s16 =	simm.s32 $0x5;
	s6 =	smul.u32 $0xC80, s5;
	s9 =	sshrl.u32 s8, $0x1  }
0xe: {  	s10 =	sshll.u32 s5, $0x7;
	s7 =	sor.u32 s7, s26;
	s8 =	ssub.s32 s8, s9  }
0xf: {  	s20 =	sor.u32 $0x4, s10;
	s21 =	sor.u32 $0x6, s10;
	s22 =	sadd.s32 s12, s11  }
0x10: {  	s28 =	sadd.s32 s25, s23;
	s7 =	sor.u32 $0x6, s7;
	s10 =	simm.s32 $0x6400  }
0x11: {  	s11 =	simm.s32 $0x19000;
	s12 =	simm.s32 $0x1;
	[dreg:$0x3] =	wrdreg s20  }
0x12: {  	s6 =	sadd.s32 s6, s4;
	s4 =	sadd.s32 $0xF42E00, s4;
	[dreg:$0x4] =	wrdreg s21  }
0x13: {  	s24 =	sor.u32 $0x9600, s22;
	s9 =	sor.u32 $0x3200, s22;
	[dreg:$0x6] =	wrdreg s28  }
0x14: {  	s5 =	sadd.s32 $0xA00, s6;
	s6 =	smax.u32 s8, $0x1;
	s8 =	sshrl.u32 s24, $0x3  }
0x15: {  	s20 =	simm.s32 $0x0;
	s29 =	sshrl.u32 s9, $0x3;
	[dreg:$0x5] =	wrdreg s8  }
0x16: {  	s9 =	simm.s32 $0x190;
	[dreg:$0x7] =	wrdreg s29;
	s8 =	simm.s32 $0x9  }
.LBB2_1:
0x17: {  	[tilespmem:s3], [sflag:$0x9] =	stream.linear.gather [hbm4b:s5+s3], $0x6400, $0x38;
	[tilespmem:$0x1F400] =	vst v63  }
0x18: {  	_ =	swait.ge [sflag:s8], $0x6400  }
0x19: {  	p1 =	por $0x1, $0x1;
	[sflag:s8] =	ssyncset.done $0x0  }
0x1a: {  	s21 =	simm.s32 @!p1 $0x5;
	[sflag:s8] =	ssyncadd.s32 $0xFFFF9C00  }
0x1b: {  	_ =	swait.ge @!p1 [sflag:s21], $0x3200  }
0x1c: {  	[sflag:s21] =	ssyncset.done @!p1 $0x0  }
0x1d: {  	[sflag:s21] =	ssyncadd.s32 @!p1 $0xFFFFCE00  }
0x1e: {  	_ =	swait.ge @!p1 [sflag:s21], $0x3200  }
0x1f: {  	p0 =	por $0x0, $0x0;
	[sflag:s21] =	ssyncset.done @!p1 $0x0  }
0x20: {  	s22 =	simm.s32 $0x0;
	s23 =	simm.s32 @p0 $0x6;
	[sflag:s21] =	ssyncadd.s32 @!p1 $0xFFFFCE00  }
0x21: {  	[tilespmem:s10], [sflag:$0x1] =	stream.indirect.gather [hbm4b:s4+s9], $0x40, s22, s9, $0xb8;
	[tilespmem:$0x1F400] =	vst v63  }
0x22: {  	_ =	swait.ge @p0 [sflag:s23], $0x3200  }
0x23: {  	[sflag:s23] =	ssyncset.done @p0 $0x0  }
0x24: {  	[sflag:s23] =	ssyncadd.s32 @p0 $0xFFFFCE00  }
0x25: {  	_ =	swait.ge @p0 [sflag:s23], $0x3200  }
0x26: {  	s24 =	simm.s32 @p0 $0xC800;
	s25 =	simm.s32 @p0 $0x7;
	[sflag:s23] =	ssyncset.done @p0 $0x0  }
0x27: {  	s21 =	simm.s32 @p0 $0x190;
	s22 =	simm.s32 @p0 $0x190;
	[sflag:s23] =	ssyncadd.s32 @p0 $0xFFFFCE00  }
0x28: {  	[tilespmem:s24], [sflag:$0x2] =	stream.indirect.gather @p0 [hbm4b:s4+s22], $0x40, s21, s22, $0xb8;
	[tilespmem:$0x1F400] =	vst v63  }
0x29: {  	_ =	swait.ge @p0 [sflag:s25], $0x3200  }
0x2a: {  	[sflag:s25] =	ssyncset.done @p0 $0x0  }
0x2b: {  	[sflag:s25] =	ssyncadd.s32 @p0 $0xFFFFCE00  }
0x2c: {  	_ =	swait.ge @p0 [sflag:s25], $0x3200  }
0x2d: {  	s23 =	simm.s32 @p0 $0x12C00;
	[sflag:s25] =	ssyncset.done @p0 $0x0  }
0x2e: {  	s21 =	simm.s32 @p0 $0x320;
	s24 =	simm.s32 @p0 $0x8;
	[sflag:s25] =	ssyncadd.s32 @p0 $0xFFFFCE00  }
0x2f: {  	[tilespmem:s23], [sflag:$0x3] =	stream.indirect.gather @p0 [hbm4b:s4+s22], $0x40, s21, s22, $0xb8;
	[tilespmem:$0x1F400] =	vst v63  }
0x30: {  	_ =	swait.ge @p0 [sflag:s24], $0x3200  }
0x31: {  	[sflag:s24] =	ssyncset.done @p0 $0x0  }
0x32: {  	[sflag:s24] =	ssyncadd.s32 @p0 $0xFFFFCE00  }
0x33: {  	_ =	swait.ge @p0 [sflag:s24], $0x3200  }
0x34: {  	s25 =	simm.s32 @!p0 $0xC800;
	s21 =	simm.s32 $0x12C0;
	[sflag:s24] =	ssyncset.done @p0 $0x0  }
0x35: {  	s22 =	simm.s32 @!p0 $0x190;
	s23 =	simm.s32 @!p0 $0x190;
	[sflag:s24] =	ssyncadd.s32 @p0 $0xFFFFCE00  }
0x36: {  	[tilespmem:s25], [sflag:$0x2] =	stream.indirect.gather @!p0 [hbm4b:s4+s23], $0x40, s22, s23, $0xb8;
	[tilespmem:$0x1F400] =	vst v63  }
0x37: {  	s21 =	simm.s32 @!p0 $0x12C0;
	s24 =	simm.s32 @!p0 $0x12C00;
	s22 =	simm.s32 @!p0 $0x320  }
0x38: {  	[tilespmem:s24], [sflag:$0x3] =	stream.indirect.gather @!p0 [hbm4b:s4+s23], $0x40, s22, s23, $0xb8;
	[tilespmem:$0x1F400] =	vst v63  }
0x39: {  	s21 =	sshra.s32 s21, $0x2;
	s25 =	rddreg [dreg:$0x3]  }
0x3a: {  	[tilespmem:s11], [sflag:$0x4] =	stream.indirect.gather [hbm4b:s4+s9], $0x40, s21, s9, $0xb8;
	[tilespmem:$0x1F400] =	vst v63  }
0x3b: {  	s22 =	rddreg [dreg:$0x4];
	_ =	swait.ge [sflag:s12], $0x6400  }
0x3c: {  	s22 =	smov.u32 @p0 s7;
	s29 =	rddreg [dreg:$0x6];
	[sflag:s12] =	ssyncset.done $0x0  }
0x3d: {  	s30 =	rddreg [dreg:$0x7];
	[sflag:s12] =	ssyncadd.s32 $0xFFFF9C00;
	s21 =	sadd.s32 s2, s29  }
0x3e: {  	[hbm4b:s21+s3] =	stream.linear.scatter [tilespmem:s10], [sflag:$0x5], $0x3200, $0x38;
	[tilespmem:$0x1F400] =	vst v63  }
0x3f: {  	s31 =	rddreg [dreg:$0x8];
	s23 =	sadd.s32 s2, s30;
	s29 =	smul.u32 $0x3200, s22  }
0x40: {  	[hbm4b:s23+s3] =	stream.linear.scatter [tilespmem:s31], [sflag:$0x5], $0x3200, $0x38;
	[tilespmem:$0x1F400] =	vst v63  }
0x41: {  	s21 =	sadd.s32 $0xC80, s21;
	s23 =	sadd.s32 @p0 $0xFFFFFFFE, s7;
	_ =	swait.ge [sflag:s13], $0x6400  }
0x42: {  	s25 =	smov.u32 @p0 s23;
	s0 =	rddreg [dreg:$0x9];
	[sflag:s13] =	ssyncset.done $0x0  }
0x43: {  	s1 =	rddreg [dreg:$0x5];
	s24 =	smul.u32 $0x3200, s25;
	[sflag:s13] =	ssyncadd.s32 $0xFFFF9C00  }
0x44: {  	[hbm4b:s21+s3] =	stream.linear.scatter [tilespmem:s0], [sflag:$0x6], $0x3200, $0x38;
	[tilespmem:$0x1F400] =	vst v63  }
0x45: {  	s26 =	rddreg [dreg:$0xa];
	s25 =	smul.u32 $0x640, s25;
	s23 =	sadd.s32 s2, s1  }
0x46: {  	[hbm4b:s23+s3] =	stream.linear.scatter [tilespmem:s26], [sflag:$0x6], $0x3200, $0x38;
	[tilespmem:$0x1F400] =	vst v63  }
0x47: {  	s30 =	sshrl.u32 s29, $0x3;
	s31 =	smul.u32 $0x640, s22;
	_ =	swait.ge [sflag:s14], $0x6400  }
0x48: {  	s21 =	sshrl.u32 s24, $0x3;
	s24 =	sadd.s32 s2, s25;
	[sflag:s14] =	ssyncset.done $0x0  }
0x49: {  	s21 =	sadd.s32 s2, s21;
	s26 =	rddreg [dreg:$0xb];
	[sflag:s14] =	ssyncadd.s32 $0xFFFF9C00  }
0x4a: {  	[hbm4b:s24+s3] =	stream.linear.scatter [tilespmem:s26], [sflag:$0x7], $0x3200, $0x38;
	[tilespmem:$0x1F400] =	vst v63  }
0x4b: {  	s22 =	sadd.s32 $0x3200, s2;
	s21 =	sadd.s32 $0x640, s21;
	s28 =	rddreg [dreg:$0xc]  }
0x4c: {  	[hbm4b:s21+s3] =	stream.linear.scatter [tilespmem:s28], [sflag:$0x7], $0x3200, $0x38;
	[tilespmem:$0x1F400] =	vst v63  }
0x4d: {  	s25 =	sadd.s32 s2, s30;
	s23 =	simm.s32 $0x2BC0;
	_ =	swait.ge [sflag:s15], $0x6400  }
0x4e: {  	s24 =	simm.s32 $0x44C0;
	s21 =	sadd.s32 $0x8, s7;
	[sflag:s15] =	ssyncset.done $0x0  }
0x4f: {  	s28 =	sadd.s32 s2, s31;
	s26 =	rddreg [dreg:$0xd];
	[sflag:s15] =	ssyncadd.s32 $0xFFFF9C00  }
.LBB2_2:
0x50: {  	[hbm4b:s28+s3] =	stream.linear.scatter [tilespmem:s11], [sflag:$0x8], $0x3200, $0x38;
	[tilespmem:$0x1F400] =	vst v63  }
0x51: {  	p2 =	seq.s32 s23, $0x12C0;
	s25 =	sadd.s32 $0x640, s25  }
0x52: {  	[hbm4b:s25+s3] =	stream.linear.scatter [tilespmem:s26], [sflag:$0x8], $0x3200, $0x38;
	[tilespmem:$0x1F400] =	vst v63  }
0x53: {  	s25 =	simm.s32 @!p2 $0x5  }
0x54: {  	_ =	swait.ge @!p2 [sflag:s25], $0x3200  }
0x55: {  	[sflag:s25] =	ssyncset.done @!p2 $0x0  }
0x56: {  	[sflag:s25] =	ssyncadd.s32 @!p2 $0xFFFFCE00  }
0x57: {  	_ =	swait.ge @!p2 [sflag:s25], $0x3200  }
0x58: {  	s1 =	sshra.s32 s23, $0x2;
	p1 =	sne.s32 s23, $0x12C0;
	[sflag:s25] =	ssyncset.done @!p2 $0x0  }
0x59: {  	s29 =	simm.s32 @p1 $0x6;
	s26 =	sadd.s32 $0xFFFFFB50, s1;
	[sflag:s25] =	ssyncadd.s32 @!p2 $0xFFFFCE00  }
0x5a: {  	[tilespmem:s10], [sflag:$0x1] =	stream.indirect.gather [hbm4b:s4+s9], $0x40, s26, s9, $0xb8;
	[tilespmem:$0x1F400] =	vst v63  }
0x5b: {  	_ =	swait.ge @p1 [sflag:s29], $0x3200  }
0x5c: {  	s28 =	smov.u32 s24;
	[sflag:s29] =	ssyncset.done @p1 $0x0  }
0x5d: {  	s31 =	smov.u32 s23;
	s30 =	sshra.s32 @p1 s23, $0x2;
	[sflag:s29] =	ssyncadd.s32 @p1 $0xFFFFCE00  }
0x5e: {  	s0 =	simm.s32 @p1 $0x7;
	s1 =	simm.s32 @p1 $0xC800;
	_ =	swait.ge @p1 [sflag:s29], $0x3200  }
0x5f: {  	s25 =	sadd.s32 @p1 $0xFFFFFCE0, s30;
	s26 =	sshra.s32 @!p1 s23, $0x2;
	[sflag:s29] =	ssyncset.done @p1 $0x0  }
0x60: {  	s23 =	smov.u32 s28;
	s28 =	simm.s32 @p1 $0x190;
	[sflag:s29] =	ssyncadd.s32 @p1 $0xFFFFCE00  }
0x61: {  	[tilespmem:s1], [sflag:$0x2] =	stream.indirect.gather @p1 [hbm4b:s4+s28], $0x40, s25, s28, $0xb8;
	[tilespmem:$0x1F400] =	vst v63  }
0x62: {  	_ =	swait.ge @p1 [sflag:s0], $0x3200  }
0x63: {  	[sflag:s0] =	ssyncset.done @p1 $0x0  }
0x64: {  	[sflag:s0] =	ssyncadd.s32 @p1 $0xFFFFCE00  }
0x65: {  	_ =	swait.ge @p1 [sflag:s0], $0x3200  }
0x66: {  	s30 =	sadd.s32 @p1 $0xFFFFFE70, s30;
	[sflag:s0] =	ssyncset.done @p1 $0x0  }
0x67: {  	s1 =	simm.s32 @p1 $0x12C00;
	s25 =	simm.s32 @p1 $0x8;
	[sflag:s0] =	ssyncadd.s32 @p1 $0xFFFFCE00  }
0x68: {  	[tilespmem:s1], [sflag:$0x3] =	stream.indirect.gather @p1 [hbm4b:s4+s28], $0x40, s30, s28, $0xb8;
	[tilespmem:$0x1F400] =	vst v63  }
0x69: {  	_ =	swait.ge @p1 [sflag:s25], $0x3200  }
0x6a: {  	[sflag:s25] =	ssyncset.done @p1 $0x0  }
0x6b: {  	[sflag:s25] =	ssyncadd.s32 @p1 $0xFFFFCE00  }
0x6c: {  	_ =	swait.ge @p1 [sflag:s25], $0x3200  }
0x6d: {  	s26 =	sadd.s32 @!p1 $0xFFFFFCE0, s26;
	[sflag:s25] =	ssyncset.done @p1 $0x0  }
0x6e: {  	s0 =	simm.s32 @!p1 $0x190;
	s1 =	simm.s32 @!p1 $0xC800;
	[sflag:s25] =	ssyncadd.s32 @p1 $0xFFFFCE00  }
0x6f: {  	[tilespmem:s1], [sflag:$0x2] =	stream.indirect.gather @!p1 [hbm4b:s4+s0], $0x40, s26, s0, $0xb8;
	[tilespmem:$0x1F400] =	vst v63  }
0x70: {  	s31 =	simm.s32 @!p1 $0x12C0;
	s29 =	simm.s32 @!p1 $0x12C00;
	s28 =	simm.s32 @!p1 $0x320  }
0x71: {  	[tilespmem:s29], [sflag:$0x3] =	stream.indirect.gather @!p1 [hbm4b:s4+s0], $0x40, s28, s0, $0xb8;
	[tilespmem:$0x1F400] =	vst v63  }
0x72: {  	s25 =	rddreg [dreg:$0x4];
	s29 =	sshra.s32 s31, $0x2  }
0x73: {  	[tilespmem:s11], [sflag:$0x4] =	stream.indirect.gather [hbm4b:s4+s9], $0x40, s29, s9, $0xb8;
	[tilespmem:$0x1F400] =	vst v63  }
0x74: {  	s1 =	rddreg [dreg:$0x3];
	s0 =	sadd.s32 @p1 $0xFFFFFFFE, s21;
	_ =	swait.ge [sflag:s12], $0x6400  }
0x75: {  	s1 =	smov.u32 @p1 s0;
	s30 =	rddreg [dreg:$0x6];
	[sflag:s12] =	ssyncset.done $0x0  }
0x76: {  	s28 =	rddreg [dreg:$0x7];
	[sflag:s12] =	ssyncadd.s32 $0xFFFF9C00;
	s0 =	sadd.s32 s22, s30  }
0x77: {  	[hbm4b:s0+s3] =	stream.linear.scatter [tilespmem:s10], [sflag:$0x5], $0x3200, $0x38;
	[tilespmem:$0x1F400] =	vst v63  }
0x78: {  	s24 =	sadd.s32 $0x1900, s24;
	s31 =	rddreg [dreg:$0x8];
	s28 =	sadd.s32 s22, s28  }
0x79: {  	[hbm4b:s28+s3] =	stream.linear.scatter [tilespmem:s31], [sflag:$0x5], $0x3200, $0x38;
	[tilespmem:$0x1F400] =	vst v63  }
0x7a: {  	s25 =	smov.u32 @p1 s21;
	s26 =	smul.u32 $0x640, s1;
	_ =	swait.ge [sflag:s13], $0x6400  }
0x7b: {  	s1 =	smul.u32 $0x3200, s1;
	s28 =	rddreg [dreg:$0x9];
	[sflag:s13] =	ssyncset.done $0x0  }
0x7c: {  	s0 =	sadd.s32 $0xC80, s0;
	s30 =	rddreg [dreg:$0x5];
	[sflag:s13] =	ssyncadd.s32 $0xFFFF9C00  }
0x7d: {  	[hbm4b:s0+s3] =	stream.linear.scatter [tilespmem:s28], [sflag:$0x6], $0x3200, $0x38;
	[tilespmem:$0x1F400] =	vst v63  }
0x7e: {  	s29 =	smul.u32 $0x640, s25;
	s31 =	rddreg [dreg:$0xa];
	s30 =	sadd.s32 s22, s30  }
0x7f: {  	[hbm4b:s30+s3] =	stream.linear.scatter [tilespmem:s31], [sflag:$0x6], $0x3200, $0x38;
	[tilespmem:$0x1F400] =	vst v63  }
0x80: {  	p0 =	sne.s32 s24, $0x1A2C0;
	s25 =	smul.u32 $0x3200, s25;
	_ =	swait.ge [sflag:s14], $0x6400  }
0x81: {  	s1 =	sshrl.u32 s1, $0x3;
	s26 =	sadd.s32 s2, s26;
	[sflag:s14] =	ssyncset.done $0x0  }
0x82: {  	s1 =	sadd.s32 s2, s1;
	s30 =	rddreg [dreg:$0xb];
	[sflag:s14] =	ssyncadd.s32 $0xFFFF9C00  }
0x83: {  	[hbm4b:s26+s3] =	stream.linear.scatter [tilespmem:s30], [sflag:$0x7], $0x3200, $0x38;
	[tilespmem:$0x1F400] =	vst v63  }
.Ltmp0:
0x84: {  	s31 =	sadd.s32 $0x640, s1;
	s28 =	rddreg [dreg:$0xc];
	(pc) =	sbr.rel @p0 .LBB2_2-.Ltmp0, $4  }
0x85: {  	[hbm4b:s31+s3] =	stream.linear.scatter [tilespmem:s28], [sflag:$0x7], $0x3200, $0x38;
	[tilespmem:$0x1F400] =	vst v63  }
0x86: {  	s21 =	sadd.s32 $0x8, s21;
	s25 =	sshrl.u32 s25, $0x3;
	_ =	swait.ge [sflag:s15], $0x6400  }
0x87: {  	s25 =	sadd.s32 s2, s25;
	s22 =	sadd.s32 $0x3200, s22;
	[sflag:s15] =	ssyncset.done $0x0  }
0x88: {  	s28 =	sadd.s32 s2, s29;
	s26 =	rddreg [dreg:$0xd];
	[sflag:s15] =	ssyncadd.s32 $0xFFFF9C00  }
0x89: {  	[hbm4b:s28+s3] =	stream.linear.scatter [tilespmem:s11], [sflag:$0x8], $0x3200, $0x38;
	[tilespmem:$0x1F400] =	vst v63  }
0x8a: {  	p1 =	seq.s32 s23, $0x12C0;
	s0 =	sadd.s32 $0x640, s25  }
0x8b: {  	[hbm4b:s0+s3] =	stream.linear.scatter [tilespmem:s26], [sflag:$0x8], $0x3200, $0x38;
	[tilespmem:$0x1F400] =	vst v63  }
0x8c: {  	s0 =	simm.s32 @!p1 $0x5  }
0x8d: {  	_ =	swait.ge @!p1 [sflag:s0], $0x3200  }
0x8e: {  	[sflag:s0] =	ssyncset.done @!p1 $0x0  }
0x8f: {  	[sflag:s0] =	ssyncadd.s32 @!p1 $0xFFFFCE00  }
0x90: {  	_ =	swait.ge @!p1 [sflag:s0], $0x3200  }
0x91: {  	s1 =	sshra.s32 s23, $0x2;
	p0 =	sne.s32 s23, $0x12C0;
	[sflag:s0] =	ssyncset.done @!p1 $0x0  }
0x92: {  	s1 =	sadd.s32 $0xFFFFFB50, s1;
	s24 =	simm.s32 @p0 $0x6;
	[sflag:s0] =	ssyncadd.s32 @!p1 $0xFFFFCE00  }
0x93: {  	[tilespmem:s10], [sflag:$0x1] =	stream.indirect.gather [hbm4b:s4+s9], $0x40, s1, s9, $0xb8;
	[tilespmem:$0x1F400] =	vst v63  }
0x94: {  	_ =	swait.ge @p0 [sflag:s24], $0x3200  }
0x95: {  	[sflag:s24] =	ssyncset.done @p0 $0x0  }
0x96: {  	[sflag:s24] =	ssyncadd.s32 @p0 $0xFFFFCE00  }
0x97: {  	s25 =	simm.s32 @p0 $0x190;
	_ =	swait.ge @p0 [sflag:s24], $0x3200  }
0x98: {  	s28 =	simm.s32 @p0 $0x7;
	s0 =	sshra.s32 @p0 s23, $0x2;
	[sflag:s24] =	ssyncset.done @p0 $0x0  }
0x99: {  	s26 =	simm.s32 @p0 $0xC800;
	s1 =	sadd.s32 @p0 $0xFFFFFCE0, s0;
	[sflag:s24] =	ssyncadd.s32 @p0 $0xFFFFCE00  }
0x9a: {  	[tilespmem:s26], [sflag:$0x2] =	stream.indirect.gather @p0 [hbm4b:s4+s25], $0x40, s1, s25, $0xb8;
	[tilespmem:$0x1F400] =	vst v63  }
0x9b: {  	_ =	swait.ge @p0 [sflag:s28], $0x3200  }
0x9c: {  	[sflag:s28] =	ssyncset.done @p0 $0x0  }
0x9d: {  	[sflag:s28] =	ssyncadd.s32 @p0 $0xFFFFCE00  }
0x9e: {  	_ =	swait.ge @p0 [sflag:s28], $0x3200  }
0x9f: {  	s0 =	sadd.s32 @p0 $0xFFFFFE70, s0;
	[sflag:s28] =	ssyncset.done @p0 $0x0  }
0xa0: {  	s24 =	simm.s32 @p0 $0x8;
	s1 =	simm.s32 @p0 $0x12C00;
	[sflag:s28] =	ssyncadd.s32 @p0 $0xFFFFCE00  }
0xa1: {  	[tilespmem:s1], [sflag:$0x3] =	stream.indirect.gather @p0 [hbm4b:s4+s25], $0x40, s0, s25, $0xb8;
	[tilespmem:$0x1F400] =	vst v63  }
0xa2: {  	_ =	swait.ge @p0 [sflag:s24], $0x3200  }
0xa3: {  	[sflag:s24] =	ssyncset.done @p0 $0x0  }
0xa4: {  	[sflag:s24] =	ssyncadd.s32 @p0 $0xFFFFCE00  }
0xa5: {  	_ =	swait.ge @p0 [sflag:s24], $0x3200  }
0xa6: {  	s0 =	sshra.s32 @!p0 s23, $0x2;
	s1 =	simm.s32 @!p0 $0x190;
	[sflag:s24] =	ssyncset.done @p0 $0x0  }
0xa7: {  	s25 =	simm.s32 @!p0 $0xC800;
	s0 =	sadd.s32 @!p0 $0xFFFFFCE0, s0;
	[sflag:s24] =	ssyncadd.s32 @p0 $0xFFFFCE00  }
0xa8: {  	[tilespmem:s25], [sflag:$0x2] =	stream.indirect.gather @!p0 [hbm4b:s4+s1], $0x40, s0, s1, $0xb8;
	[tilespmem:$0x1F400] =	vst v63  }
0xa9: {  	s23 =	simm.s32 @!p0 $0x12C0;
	s24 =	simm.s32 @!p0 $0x12C00;
	s0 =	simm.s32 @!p0 $0x320  }
0xaa: {  	[tilespmem:s24], [sflag:$0x3] =	stream.indirect.gather @!p0 [hbm4b:s4+s1], $0x40, s0, s1, $0xb8;
	[tilespmem:$0x1F400] =	vst v63  }
0xab: {  	s28 =	sshra.s32 s23, $0x2;
	s25 =	rddreg [dreg:$0x3]  }
0xac: {  	[tilespmem:s11], [sflag:$0x4] =	stream.indirect.gather [hbm4b:s4+s9], $0x40, s28, s9, $0xb8;
	[tilespmem:$0x1F400] =	vst v63  }
0xad: {  	s0 =	rddreg [dreg:$0x4];
	_ =	swait.ge [sflag:s12], $0x6400  }
0xae: {  	s29 =	rddreg [dreg:$0x6];
	[sflag:s12] =	ssyncset.done $0x0  }
0xaf: {  	s30 =	rddreg [dreg:$0x7];
	[sflag:s12] =	ssyncadd.s32 $0xFFFF9C00;
	s1 =	sadd.s32 s22, s29  }
0xb0: {  	[hbm4b:s1+s3] =	stream.linear.scatter [tilespmem:s10], [sflag:$0x5], $0x3200, $0x38;
	[tilespmem:$0x1F400] =	vst v63  }
0xb1: {  	s31 =	rddreg [dreg:$0x8];
	s23 =	sadd.s32 s22, s30  }
0xb2: {  	[hbm4b:s23+s3] =	stream.linear.scatter [tilespmem:s31], [sflag:$0x5], $0x3200, $0x38;
	[tilespmem:$0x1F400] =	vst v63  }
0xb3: {  	s1 =	sadd.s32 $0xC80, s1;
	s23 =	sadd.s32 @p0 $0xFFFFFFFE, s21;
	_ =	swait.ge [sflag:s13], $0x6400  }
0xb4: {  	s25 =	smov.u32 @p0 s23;
	s26 =	rddreg [dreg:$0x9];
	[sflag:s13] =	ssyncset.done $0x0  }
0xb5: {  	s28 =	rddreg [dreg:$0x5];
	s30 =	smul.u32 $0x3200, s25;
	[sflag:s13] =	ssyncadd.s32 $0xFFFF9C00  }
0xb6: {  	[hbm4b:s1+s3] =	stream.linear.scatter [tilespmem:s26], [sflag:$0x6], $0x3200, $0x38;
	[tilespmem:$0x1F400] =	vst v63  }
0xb7: {  	s29 =	rddreg [dreg:$0xa];
	s23 =	smul.u32 $0x640, s25;
	s31 =	sadd.s32 s22, s28  }
0xb8: {  	[hbm4b:s31+s3] =	stream.linear.scatter [tilespmem:s29], [sflag:$0x6], $0x3200, $0x38;
	[tilespmem:$0x1F400] =	vst v63  }
0xb9: {  	s0 =	smov.u32 @p0 s21;
	_ =	swait.ge [sflag:s14], $0x6400  }
0xba: {  	s1 =	sshrl.u32 s30, $0x3;
	s25 =	sadd.s32 s2, s23;
	[sflag:s14] =	ssyncset.done $0x0  }
0xbb: {  	s1 =	sadd.s32 s2, s1;
	s24 =	rddreg [dreg:$0xb];
	[sflag:s14] =	ssyncadd.s32 $0xFFFF9C00  }
0xbc: {  	[hbm4b:s25+s3] =	stream.linear.scatter [tilespmem:s24], [sflag:$0x7], $0x3200, $0x38;
	[tilespmem:$0x1F400] =	vst v63  }
0xbd: {  	s28 =	smul.u32 $0x3200, s0;
	s1 =	sadd.s32 $0x640, s1;
	s26 =	rddreg [dreg:$0xc]  }
0xbe: {  	[hbm4b:s1+s3] =	stream.linear.scatter [tilespmem:s26], [sflag:$0x7], $0x3200, $0x38;
	[tilespmem:$0x1F400] =	vst v63  }
0xbf: {  	s0 =	smul.u32 $0x640, s0;
	_ =	swait.ge [sflag:s15], $0x6400  }
0xc0: {  	s29 =	sshrl.u32 s28, $0x3;
	[sflag:s15] =	ssyncset.done $0x0  }
0xc1: {  	s0 =	sadd.s32 s2, s0;
	s1 =	sadd.s32 s2, s29;
	[sflag:s15] =	ssyncadd.s32 $0xFFFF9C00  }
0xc2: {  	[hbm4b:s0+s3] =	stream.linear.scatter [tilespmem:s11], [sflag:$0x8], $0x3200, $0x38;
	[tilespmem:$0x1F400] =	vst v63  }
0xc3: {  	s31 =	sadd.s32 $0x640, s1;
	s30 =	rddreg [dreg:$0xd]  }
0xc4: {  	[hbm4b:s31+s3] =	stream.linear.scatter [tilespmem:s30], [sflag:$0x8], $0x3200, $0x38;
	[tilespmem:$0x1F400] =	vst v63  }
0xc5: {  	_ =	swait.ge [sflag:s16], $0x3200  }
0xc6: {  	[sflag:s16] =	ssyncset.done $0x0  }
0xc7: {  	[sflag:s16] =	ssyncadd.s32 $0xFFFFCE00  }
0xc8: {  	_ =	swait.ge [sflag:s16], $0x3200  }
0xc9: {  	[sflag:s16] =	ssyncset.done $0x0  }
0xca: {  	[sflag:s16] =	ssyncadd.s32 $0xFFFFCE00  }
0xcb: {  	_ =	swait.ge [sflag:s17], $0x3200  }
0xcc: {  	[sflag:s17] =	ssyncset.done $0x0  }
0xcd: {  	[sflag:s17] =	ssyncadd.s32 $0xFFFFCE00  }
0xce: {  	_ =	swait.ge [sflag:s17], $0x3200  }
0xcf: {  	[sflag:s17] =	ssyncset.done $0x0  }
0xd0: {  	[sflag:s17] =	ssyncadd.s32 $0xFFFFCE00  }
0xd1: {  	_ =	swait.ge [sflag:s18], $0x3200  }
0xd2: {  	[sflag:s18] =	ssyncset.done $0x0  }
0xd3: {  	[sflag:s18] =	ssyncadd.s32 $0xFFFFCE00  }
0xd4: {  	_ =	swait.ge [sflag:s18], $0x3200  }
0xd5: {  	[sflag:s18] =	ssyncset.done $0x0  }
0xd6: {  	s20 =	sadd.s32 $0x1, s20;
	[sflag:s18] =	ssyncadd.s32 $0xFFFFCE00  }
0xd7: {  	p0 =	sne.s32 s20, s6;
	_ =	swait.ge [sflag:s19], $0x3200  }
.Ltmp1:
0xd8: {  	[sflag:s19] =	ssyncset.done $0x0;
	(pc) =	sbr.rel @p0 .LBB2_1-.Ltmp1, $4  }
0xd9: {  	[sflag:s19] =	ssyncadd.s32 $0xFFFFCE00  }
0xda: {  	_ =	swait.ge [sflag:s19], $0x3200  }
0xdb: {  	[sflag:s19] =	ssyncset.done $0x0  }
0xdc: {  	[sflag:s19] =	ssyncadd.s32 $0xFFFFCE00  }
0xdd: {  	_ =	sfence.sel $0x180000  }
0xde: {  	[bflag:$0x0] =	sbarrier.arrive $0xFFFF  }
0xdf: {  	_ =	strace $0x90000047  }
0xe0: {  	s0 =	stileid.u32;
	[bflag:$0x2] =	sbarrier.arrive $0xFFFF  }
0xe1: {  	p0 =	sne.s32 s0, $0x0;
	s0 =	rddreg [dreg:$0x2]  }
0xe2: {  	s0 =	sadd.s32 @!p0 $0x100000, s0  }
0xe3: {  	[sflag:s0] =	ssyncadd.tile.s32 @!p0 $0x1;
	_ =	shalt  }
.Lfunc_end2:
_tile_overlayer_lowered:
.L_overlay_start_2:
0xe4: {  	(tag) =	ssettag $0x2  }
0xe5: {  	s0 =	rddreg [dreg:$0x0];
	s2 =	stileid.u32  }
0xe6: {  	s1 =	rddreg [dreg:$0x1];
	p0 =	sne.s32 s2, $0x0  }
0xe7: {  	s3 =	rddreg [dreg:$0x2];
	[bflag:$0x3] =	sbarrier.arrive $0xFFFF;
	s2 =	simm.s32 @!p0 $0x1C09  }
0xe8: {  	[timem:s3], [sflag:s2] =	dma.local @!p0 [hbm:s0], s1  }
0xe9: {  	s0 =	simm.s32 @!p0 $0x9  }
0xea: {  	_ =	swait.ge @!p0 [sflag:s0], s1  }
0xeb: {  	s1 =	ssub.s32 @!p0 $0x0, s1;
	[sflag:s0] =	ssyncset.done @!p0 $0x0  }
0xec: {  	[sflag:s0] =	ssyncadd.s32 @!p0 s1  }
0xed: {  	[bflag:$0x3] =	sbarrier.arrive $0xFFFF  }
0xee: {  	_ =	shalt  }

// kernel: sparse-core-data-format-call.cloned.1.call-start
scs
called_computation_lowered:
.L_overlay_start_0:
0x0: {  	s2 =	sld [smem:$0x3FD9]  }
0x1: {  	s3 =	sld [smem:$0x3FFE];
	_ =	sdelay $0x1  }
0x2: {  	s1 =	srdreg.scid  }
0x3: {  	s0 =	sand.u32 $0x1, s1  }
0x4: {  	s18 =	sshll.u32 s0, $0xA;
	s2 =	sadd.s32 s3, s2  }
0x5: {  	s2 =	sadd.s32 s2, s18  }
0x6: {  	[smem:$0x3FC6] =	sst s2  }
0x7: {  	_ = 	snop  }
0x8: {  	s2 =	sld [smem:$0x3FD0];
	(tm) =	ssettm $0x1  }
0x9: {  	s19 =	sld [smem:$0x3FFB];
	_ =	sdelay $0x3  }
0xa: {  	_ =	strace s19  }
0xb: {  	s3 =	sld [smem:$0x3FFC];
	_ =	sdelay $0x3  }
0xc: {  	_ =	strace s3  }
0xd: {  	s3 =	sld [smem:$0x3FFD];
	_ =	sdelay $0x3  }
0xe: {  	_ =	strace s3  }
0xf: {  	_ =	strace $0x8FFFFFFF  }
0x10: {  	s20 =	sld [smem:$0x3FDB];
	_ =	sdelay $0x1  }
0x11: {  	s4 =	simm.s32 $_scs_section_size  }
0x12: {  	s5 =	simm.s32 $_size__tile_overlayer_lowered;
	s6 =	simm.s32 $_tile_overlayer_lowered  }
0x13: {  	s23 =	simm.s32 $0x1BFF;
	s22 =	sshll.u32 s6, $0x1;
	s3 =	sadd.s32 s4, s20  }
0x14: {  	s7 =	simm.s32 $0x0;
	s21 =	sshll.u32 s5, $0x1;
	s5 =	sadd.s32 s22, s3  }
0x15: {  	[timem:s7], [sflag:s23] =	dma.local [hbm:s5], s21  }
0x16: {  	_ =	swait.ge [sflag:s23], s21  }
0x17: {  	s4 =	ssub.s32 $0x0, s21;
	[sflag:s23] =	ssyncset.done $0x0  }
0x18: {  	[sflag:s23] =	ssyncadd.s32 s4;
	_ =	sdelay $0x1  }
0x19: {  	s24 =	simm.s32 $0x1B8B  }
0x1a: {  	_ =	swait.ge [sflag:s24], $0x1  }
0x1b: {  	[sflag:s24] =	ssyncset.done $0x0  }
0x1c: {  	s26 =	simm.s32 $0x1B8E;
	s25 =	sld [smem:$0x3FFE];
	[sflag:s24] =	ssyncadd.s32 $0xFFFFFFFF  }
0x1d: {  	s27 =	simm.s32 $execute0_lowered;
	[smem:$0x3FD2] =	sst s26  }
0x1e: {  	s5 =	sshll.u32 s27, $0x1;
	_ =	strace $0x80000049;
	[dreg:$0x1] =	wrdreg $0xFFFFFFFF  }
0x1f: {  	s28 =	simm.s32 $_size_execute0_lowered;
	s3 =	sadd.s32 s3, s5;
	[dreg:$0x0] =	wrdreg $0x0  }
0x20: {  	s5 =	sshll.u32 s28, $0x1;
	[dreg:$0x2] =	wrdreg s3  }
0x21: {  	[dreg:$0x3] =	wrdreg s5  }
0x22: {  	[dreg:$0x4] =	wrdreg $0xC0  }
0x23: {  	_ =	task [dreg:s7], $0x5FFFF  }
0x24: {  	[dreg:$0x1] =	wrdreg $0xFFFFFFFF  }
0x25: {  	[dreg:$0x0] =	wrdreg $0x60  }
0x26: {  	[dreg:$0x2] =	wrdreg s25  }
0x27: {  	[dreg:$0x3] =	wrdreg s2  }
0x28: {  	[dreg:$0x4] =	wrdreg $0x9  }
0x29: {  	_ =	task.clear_ibuf [dreg:s7], $0x5FFFF;
	_ =	strace $0x90000049  }
0x2a: {  	s29 =	simm.s32 $0x9;
	_ =	strace $0x8000004B  }
0x2b: {  	_ =	swait.ge [sflag:s29], $0x1  }
0x2c: {  	[sflag:s29] =	ssyncadd.s32 $0xFFFFFFFF  }
0x2d: {  	_ =	strace $0x9000004B  }
0x2e: {  	_ =	sfence  }
0x2f: {  	s30 =	sld [smem:$0x0];
	_ =	sdelay $0x2  }
0x30: {  	s31 =	sshll.u32 s1, $0xD;
	s1 =	sshrl.u32 s1, $0x2  }
0x31: {  	s3 =	sand.u32 $0x4000, s31;
	s1 =	sadd.s32 s1, s30  }
0x32: {  	s0 =	sor.u32 s3, s0;
	s1 =	sshll.u32 s1, $0x11  }
0x33: {  	s0 =	sor.u32 s1, s0  }
0x34: {  	s0 =	sadd.s32 $0x8F2B, s0  }
0x35: {  	[sflag:s0] =	ssyncadd.remote.s32 $0x1  }
0x36: {  	_ =	sfence.sel $0xFFFF  }
0x37: {  	[dreg:$0x0] =	wrdreg $0xFFFFFFFF;
	(pc) =	sbr.abs _section_cstart, $3  }
0x38: {  	[dreg:$0x1] =	wrdreg $0xFFFFFFFF  }
0x39: {  	_ =	task.clear_ibuf [dreg:s7], $0x2FFFF;
	_ =	strace $0x9FFFFFFF  }
0x3a: {  	(tm) =	ssettm $0x7FFFFFFF  }
0x3b: {  	_ =	shalt  }
tec
execute0_lowered:
.L_overlay_start_1:
0x0: {  	(tag) =	ssettag $0x1  }
0x1: {  	s0 =	srdreg.scid  }
0x2: {  	s1 =	sshll.u32 s0, $0x4  }
0x3: {  	s0 =	stileid.u32;
	s1 =	sand.u32 $0x10, s1  }
0x4: {  	s1 =	sor.u32 s0, s1  }
0x5: {  	s6 =	rddreg [dreg:$0x0];
	s4 =	simm.s32 $0x1;
	s2 =	sshll.u32 s1, $0x7  }
0x6: {  	s7 =	simm.s32 $0x2;
	s12 =	simm.s32 $0x0;
	s1 =	ssub.s32 $0x1000, s2  }
0x7: {  	s8 =	simm.s32 $0x8000;
	s13 =	simm.s32 $0x0;
	s3 =	sand.u32 $0xF80, s1  }
0x8: {  	s9 =	simm.s32 $0x0;
	s5 =	sshrl.u32 s1, $0xC;
	p0 =	sne.s32 s3, $0x0  }
.Ltmp0:
0x9: {  	s1 =	rddreg [dreg:$0x2];
	s4 =	simm.s32 @!p0 $0x0;
	(pc) =	sbr.rel .LBB1_1-.Ltmp0, $4  }
0xa: {  	s11 =	simm.s32 $0x0;
	s3 =	rddreg [dreg:$0x1];
	s5 =	sadd.s32 s4, s5  }
0xb: {  	_ =	strace $0x8000004A;
	s4 =	simm.s32 $0x1;
	s5 =	smul.u32 $0xC8, s5  }
0xc: {  	s6 =	sadd.s32 $0xA00, s6;
	s10 =	smov.u32 s2;
	[sflag:s4] =	ssyncpa.u1 $0x0  }
0xd: {  	p0 =	por $0x0, $0x0;
	[sflag:s7] =	ssyncpa.u1 $0x0;
	s7 =	sor.u32 $0x1, s5  }
.LBB1_4:
0xe: {  	s16 =	sshll.u32 s13, $0x3;
	s17 =	sand.u32 $0x78, s13  }
0xf: {  	s30 =	sand.u32 $0x7E00, s13;
	s12 =	sshll.u32 s12, $0xF;
	s16 =	sand.u32 $0xC00, s16  }
0x10: {  	[tilespmem:s15+$0x810 ss:$0x81] =	vst.msk $0xffff, v2;
	s31 =	sand.u32 $0x7, s13;
	s16 =	sor.u32 s17, s16;
	s17 =	sadd.s32 s3, s30  }
0x11: {  	[tilespmem:s15+$0x1020 ss:$0x81] =	vst.msk $0xffff, v0;
	s13 =	sshll.u32 s31, $0x12;
	s12 =	sadd.s32 s12, s17;
	s16 =	sshrl.u32 s16, $0x3  }
0x12: {  	[tilespmem:s15+$0x0 ss:$0x81] =	vst.msk $0xffff, v1;
	s13 =	sor.u32 $0x400, s13;
	s12 =	sadd.s32 s16, s12  }
0x13: {  	[hbm4b:s12+s13] =	stream.strided.scatter [tilespmem:s14], [sflag:$0x2], $0x2000, s8, s13, $0x20;
	[tilespmem:$0x8080] =	vst v63  }
.LBB1_5:
0x14: {  	s14 =	sadd.s32 $0x1, s9  }
0x15: {  	s12 =	sadd.s32 $0x1000, s10;
	s16 =	smov.u32 s10;
	p2 =	sgt.s32 s14, $0xC7  }
0x16: {  	s16 =	smov.u32 @p2 s12  }
0x17: {  	s14 =	simm.s32 @p2 $0x0;
	p2 =	sgt.s32 s16, $0xFFF  }
0x18: {  	s16 =	smov.u32 @p2 s2;
	p2 =	sne.s32 s11, s7  }
.Ltmp1:
0x19: {  	p1 =	slt.u32 s11, $0x2;
	(pc) =	sbr.rel @!p2 .LBB1_6-.Ltmp1, $4  }
0x1a: {  	s15 =	simm.s32 @!p1 $0x2  }
0x1b: {  	s13 =	smov.u32 s10;
	p0 =	por !p0, !p0;
	_ =	swait.ge @!p1 [sflag:s15], $0x2000  }
0x1c: {  	s12 =	smov.u32 s9;
	[sflag:s15] =	ssyncset.done @!p1 $0x0;
	s9 =	smov.u32 s14  }
0x1d: {  	s11 =	sadd.s32 $0x1, s11;
	[sflag:s15] =	ssyncadd.s32 @!p1 $0xFFFFE000;
	s10 =	smov.u32 s16  }
.LBB1_1:
0x1e: {  	p1 =	sge.u32 s11, s5  }
0x1f: {  	s14 =	sand.u32 @!p1 $0x1FFFFFF, s9  }
0x20: {  	s15 =	smulhi.u32 @!p1 $0x147AE15, s14;
	_ =	sdelay $0x1  }
0x21: {  	s15 =	smul.u32 @!p1 $0xC8, s15  }
0x22: {  	s16 =	sxor.u32 @!p1 $0xFFFFFFFF, s11;
	s17 =	smul.u32 @!p1 $0xC80, s10  }
0x23: {  	s31 =	sadd.s32 $0xFFFFFFFF, s11;
	s16 =	sshll.u32 @!p1 s16, $0xD;
	s14 =	ssub.s32 @!p1 s14, s15  }
0x24: {  	s15 =	sand.u32 @!p1 $0x2000, s16;
	s16 =	sadd.s32 @!p1 s6, s17;
	s14 =	sshll.u32 @!p1 s14, $0x4  }
0x25: {  	s17 =	simm.s32 @!p1 $0x6400;
	s14 =	sadd.s32 @!p1 s14, s16;
	s16 =	simm.s32 @!p1 $0x40  }
0x26: {  	[tilespmem:s15], [sflag:$0x1] =	stream.strided.gather @!p1 [hbm4b:s14+s16], $0x2000, s17, s16, $0x38;
	[tilespmem:$0x8080] =	vst v63  }
0x27: {  	p1 =	sge.u32 s31, s5  }
.Ltmp2:
0x28: {  	_ = 	snop;
	(pc) =	sbr.rel @p1 .LBB1_5-.Ltmp2, $1  }
0x29: {  	_ =	sdelay $0x3  }
0x2a: {  	s14 =	simm.s32 $0x1  }
0x2b: {  	_ =	swait.ge [sflag:s4], $0x2000;
	s14 =	simm.s32 @!p0 $0x0  }
0x2c: {  	[sflag:s4] =	ssyncset.done $0x0;
	s15 =	sshll.u32 s14, $0xD  }
0x2d: {  	[sflag:s4] =	ssyncadd.s32 $0xFFFFE000;
	s18 =	sor.u32 $0x20, s15  }
0x2e: {  	s14 =	smul.u32 $0x8100, s14;
	v3 =	vld [tilespmem:s18+$0x10]  }
0x2f: {  	s30 =	sand.u32 $0x1, s11;
	v2 =	vld [tilespmem:s18+$0xFFFFFFF0]  }
0x30: {  	s15 =	smul.u32 $0x8100, s30;
	s14 =	sshrl.u32 s14, $0x2;
	v0 =	vld [tilespmem:s18+$0x0]  }
0x31: {  	v1 =	vld [tilespmem:s18+$0xFFFFFFE0];
	s16 =	sor.u32 $0x4000, s14  }
0x32: {  	s31 =	sshrl.u32 s15, $0x2;
	s15 =	sadd.s32 $0x0, s16  }
0x33: {  	s17 =	simm.s32 $0x4;
	s18 =	sadd.s32 $0x40, s18;
	s14 =	sor.u32 $0x4000, s31;
	[tilespmem:s15+$0x1830 ss:$0x81] =	vst.msk $0xffff, v3  }
.LBB1_3:
0x34: {  	v3 =	vld [tilespmem:s18+$0x10];
	p1 =	sne.s32 s17, $0x1FC;
	[tilespmem:s15+$0x810 ss:$0x81] =	vst.msk $0xffff, v2;
	s19 =	smov.u32 s17;
	s17 =	sadd.s32 $0x4, s17  }
.Ltmp3:
0x35: {  	v2 =	vld [tilespmem:s18+$0xFFFFFFF0];
	[tilespmem:s15+$0x1020 ss:$0x81] =	vst.msk $0xffff, v0;
	(pc) =	sbr.rel @p1 .LBB1_3-.Ltmp3, $4  }
0x36: {  	v0 =	vld [tilespmem:s18+$0x0];
	[tilespmem:s15+$0x0 ss:$0x81] =	vst.msk $0xffff, v1  }
0x37: {  	s15 =	sshra.s32 s19, $0x2;
	v1 =	vld [tilespmem:s18+$0xFFFFFFE0]  }
0x38: {  	s15 =	sadd.s32 s15, s16  }
0x39: {  	s18 =	sadd.s32 $0x40, s18;
	[tilespmem:s15+$0x1830 ss:$0x81] =	vst.msk $0xffff, v3  }
.Ltmp4:
0x3a: {  	_ = 	snop;
	(pc) =	sbr.rel .LBB1_4-.Ltmp4, $1  }
0x3b: {  	_ =	sdelay $0x3  }
.LBB1_6:
0x3c: {  	_ =	sfence.sel $0x180000  }
0x3d: {  	s2 =	simm.s32 $0x1;
	[bflag:$0x0] =	sbarrier.arrive $0xFFFF  }
0x3e: {  	s31 =	simm.s32 $0x2;
	[sflag:s2] =	ssyncpa.u1 $0x1  }
0x3f: {  	[sflag:s31] =	ssyncpa.u1 $0x1  }
0x40: {  	p0 =	sne.s32 s0, $0x0;
	_ =	strace $0x9000004A  }
0x41: {  	s0 =	sadd.s32 @!p0 $0x100000, s1;
	[bflag:$0x2] =	sbarrier.arrive $0xFFFF  }
0x42: {  	[sflag:s0] =	ssyncadd.tile.s32 @!p0 $0x1;
	_ =	shalt  }
.Lfunc_end1:
_tile_overlayer_lowered:
.L_overlay_start_2:
0x43: {  	(tag) =	ssettag $0x2  }
0x44: {  	s0 =	rddreg [dreg:$0x0];
	s2 =	stileid.u32  }
0x45: {  	s1 =	rddreg [dreg:$0x1];
	p0 =	sne.s32 s2, $0x0  }
0x46: {  	s3 =	rddreg [dreg:$0x2];
	[bflag:$0x3] =	sbarrier.arrive $0xFFFF;
	s2 =	simm.s32 @!p0 $0x1C01  }
0x47: {  	[timem:s3], [sflag:s2] =	dma.local @!p0 [hbm:s0], s1  }
0x48: {  	s0 =	simm.s32 @!p0 $0x1  }
0x49: {  	_ =	swait.ge @!p0 [sflag:s0], s1  }
0x4a: {  	s1 =	ssub.s32 @!p0 $0x0, s1;
	[sflag:s0] =	ssyncset.done @!p0 $0x0  }
0x4b: {  	[sflag:s0] =	ssyncadd.s32 @!p0 s1  }
0x4c: {  	[bflag:$0x3] =	sbarrier.arrive $0xFFFF  }
0x4d: {  	_ =	shalt  }

</sc_bundles>
